<compile_context>
chip_gen: v7x
topology: tpu7x:2x2x1
jax: 0.10.2.dev20260603
libtpu: 0.0.44.dev20260713+nightly
codegen_flags: <defaults>
</compile_context>

<pallas_src>
import functools

import jax
import jax.numpy as jnp
from jax import lax
from jax.experimental import pallas as pl
from jax.experimental.pallas import tpu as pltpu
from jax.experimental.pallas import tpu_sc as plsc


def kernel(x, pos_emb):
    batch, seq, d = x.shape
    V, D = pos_emb.shape
    info = plsc.get_sparse_core_info()
    nc, ns = info.num_cores, info.num_subcores
    nw = nc * ns
    rows_per_w = V // nw
    n_chunks = 4
    crows = rows_per_w // n_chunks
    mesh = plsc.VectorSubcoreMesh(core_axis_name="c", subcore_axis_name="s")

    @functools.partial(
        pl.kernel,
        mesh=mesh,
        out_type=jax.ShapeDtypeStruct((batch * V, D), pos_emb.dtype),
        scratch_types=[
            pltpu.VMEM((rows_per_w, D), jnp.float32),
            pltpu.SemaphoreType.DMA,
            pltpu.SemaphoreType.DMA,
        ],
    )
    def bcast(pe_hbm, out_hbm, buf, rsem, wsem):
        wid = lax.axis_index("s") * nc + lax.axis_index("c")
        base = wid * rows_per_w
        reads = [
            pltpu.async_copy(
                pe_hbm.at[pl.ds(base + c * crows, crows)],
                buf.at[pl.ds(c * crows, crows)],
                rsem,
            )
            for c in range(n_chunks)
        ]
        writes = []
        for c in range(n_chunks):
            reads[c].wait()
            writes += [
                pltpu.async_copy(
                    buf.at[pl.ds(c * crows, crows)],
                    out_hbm.at[pl.ds(b * V + base + c * crows, crows)],
                    wsem,
                )
                for b in range(batch)
            ]
        for w in writes:
            w.wait()

    return bcast(pos_emb).reshape(batch, V, D)

# --- scband reference (transcript-rebuilt; emitter-appended) ---
"""Pipeline reference for scband-positional-embedding-89172110999727 (READ-ONLY COPY).

The authoritative reference and input builder live on the scoring server;
editing this copy changes nothing except your own understanding.
"""

import jax, jax.numpy as jnp
import numpy as np


def setup_inputs(seed: int = 0) -> dict:
    key = jax.random.key(seed)
    k1, k2 = jax.random.split(key)
    x = jax.random.normal(k1, (4, 8192, 256), dtype=jnp.float32)
    # learned positional embedding table: [max_len, d_model]
    pos_emb = jax.random.normal(k2, (8192, 256), dtype=jnp.float32) * 0.02
    return {"x": x, "pos_emb": pos_emb}


def reference(x, pos_emb):
    batch, seq, _ = x.shape
    positions = jnp.broadcast_to(jnp.arange(seq, dtype=jnp.int32)[None, :], (batch, seq))
    # embedding lookup: gather rows of pos_emb by position index
    return jnp.take(pos_emb, positions, axis=0)

if __name__ == "__main__":
    import jax
    _d = setup_inputs()
    print(jax.jit(kernel)(*tuple(_d.values())))

</pallas_src>

<mosaic_0001>
#map = affine_map<(d0, d1) -> (0, 0)>
module attributes {stable_mosaic.version = 14 : i64} {
  func.func @bcast(%arg0: i32, %arg1: i32, %arg2: memref<8192x256xf32, #tpu.memory_space<hbm>>, %arg3: memref<32768x256xf32, #tpu.memory_space<hbm>>, %arg4: memref<256x256xf32, #tpu.memory_space<vmem>>, %arg5: memref<!tpu.dma_semaphore, #tpu.memory_space<semaphore_mem>>, %arg6: memref<!tpu.dma_semaphore, #tpu.memory_space<semaphore_mem>>) attributes {dimension_semantics = [#tpu.dimension_semantics<core_parallel>, #tpu.dimension_semantics<subcore_parallel>], iteration_bounds = array<i64: 2, 16>, scalar_prefetch = 0 : i64, scratch_operands = 3 : i64, tpu.core_type = #tpu.core_type<sc_vector_subcore>, window_params = [{transform_indices = #map}, {transform_indices = #map}]} {
    %mul3A = arith.constant 2 : i32
    %mul3A_0 = arith.muli %arg1, %mul3A : i32
    %add3A = arith.addi %mul3A_0, %arg0 : i32
    %mul3A_1 = arith.constant 256 : i32
    %mul3A_2 = arith.muli %add3A, %mul3A_1 : i32
    %add3A_3 = arith.constant 0 : i32
    %add3A_4 = arith.addi %mul3A_2, %add3A_3 : i32
    %dma_start3A = arith.constant 0 : i32
    %dma_start3A_5 = arith.constant 0 : i32
    %dma_start3A_6 = tpu.memref_slice %arg4[%dma_start3A, %dma_start3A_5] : memref<256x256xf32, #tpu.memory_space<vmem>> -> memref<64x256xf32, #tpu.memory_space<vmem>>
    %dma_start3A_7 = arith.constant 0 : i32
    %dma_start3A_8 = tpu.memref_slice %arg2[%add3A_4, %dma_start3A_7] : memref<8192x256xf32, #tpu.memory_space<hbm>> -> memref<64x256xf32, #tpu.memory_space<hbm>>
    %dma_start3A_9 = arith.constant 0 : i32
    %dma_start3A_10 = arith.constant 0 : i32
    %dma_start3A_11 = tpu.memref_slice %arg4[%dma_start3A_9, %dma_start3A_10] : memref<256x256xf32, #tpu.memory_space<vmem>> -> memref<64x256xf32, #tpu.memory_space<vmem>>
    %dma_start3A_12 = arith.constant 0 : i32
    %dma_start3A_13 = tpu.memref_slice %arg2[%add3A_4, %dma_start3A_12] : memref<8192x256xf32, #tpu.memory_space<hbm>> -> memref<64x256xf32, #tpu.memory_space<hbm>>
    tpu.enqueue_dma source(%dma_start3A_13 : memref<64x256xf32, #tpu.memory_space<hbm>>) target(%dma_start3A_11 : memref<64x256xf32, #tpu.memory_space<vmem>>) target_semaphore(%arg5 : memref<!tpu.dma_semaphore, #tpu.memory_space<semaphore_mem>>)
    %add3A_14 = arith.constant 64 : i32
    %add3A_15 = arith.addi %mul3A_2, %add3A_14 : i32
    %dma_start3A_16 = arith.constant 64 : i32
    %dma_start3A_17 = arith.constant 0 : i32
    %dma_start3A_18 = tpu.memref_slice %arg4[%dma_start3A_16, %dma_start3A_17] : memref<256x256xf32, #tpu.memory_space<vmem>> -> memref<64x256xf32, #tpu.memory_space<vmem>>
    %dma_start3A_19 = arith.constant 0 : i32
    %dma_start3A_20 = tpu.memref_slice %arg2[%add3A_15, %dma_start3A_19] : memref<8192x256xf32, #tpu.memory_space<hbm>> -> memref<64x256xf32, #tpu.memory_space<hbm>>
    %dma_start3A_21 = arith.constant 64 : i32
    %dma_start3A_22 = arith.constant 0 : i32
    %dma_start3A_23 = tpu.memref_slice %arg4[%dma_start3A_21, %dma_start3A_22] : memref<256x256xf32, #tpu.memory_space<vmem>> -> memref<64x256xf32, #tpu.memory_space<vmem>>
    %dma_start3A_24 = arith.constant 0 : i32
    %dma_start3A_25 = tpu.memref_slice %arg2[%add3A_15, %dma_start3A_24] : memref<8192x256xf32, #tpu.memory_space<hbm>> -> memref<64x256xf32, #tpu.memory_space<hbm>>
    tpu.enqueue_dma source(%dma_start3A_25 : memref<64x256xf32, #tpu.memory_space<hbm>>) target(%dma_start3A_23 : memref<64x256xf32, #tpu.memory_space<vmem>>) target_semaphore(%arg5 : memref<!tpu.dma_semaphore, #tpu.memory_space<semaphore_mem>>)
    %add3A_26 = arith.constant 128 : i32
    %add3A_27 = arith.addi %mul3A_2, %add3A_26 : i32
    %dma_start3A_28 = arith.constant 128 : i32
    %dma_start3A_29 = arith.constant 0 : i32
    %dma_start3A_30 = tpu.memref_slice %arg4[%dma_start3A_28, %dma_start3A_29] : memref<256x256xf32, #tpu.memory_space<vmem>> -> memref<64x256xf32, #tpu.memory_space<vmem>>
    %dma_start3A_31 = arith.constant 0 : i32
    %dma_start3A_32 = tpu.memref_slice %arg2[%add3A_27, %dma_start3A_31] : memref<8192x256xf32, #tpu.memory_space<hbm>> -> memref<64x256xf32, #tpu.memory_space<hbm>>
    %dma_start3A_33 = arith.constant 128 : i32
    %dma_start3A_34 = arith.constant 0 : i32
    %dma_start3A_35 = tpu.memref_slice %arg4[%dma_start3A_33, %dma_start3A_34] : memref<256x256xf32, #tpu.memory_space<vmem>> -> memref<64x256xf32, #tpu.memory_space<vmem>>
    %dma_start3A_36 = arith.constant 0 : i32
    %dma_start3A_37 = tpu.memref_slice %arg2[%add3A_27, %dma_start3A_36] : memref<8192x256xf32, #tpu.memory_space<hbm>> -> memref<64x256xf32, #tpu.memory_space<hbm>>
    tpu.enqueue_dma source(%dma_start3A_37 : memref<64x256xf32, #tpu.memory_space<hbm>>) target(%dma_start3A_35 : memref<64x256xf32, #tpu.memory_space<vmem>>) target_semaphore(%arg5 : memref<!tpu.dma_semaphore, #tpu.memory_space<semaphore_mem>>)
    %add3A_38 = arith.constant 192 : i32
    %add3A_39 = arith.addi %mul3A_2, %add3A_38 : i32
    %dma_start3A_40 = arith.constant 192 : i32
    %dma_start3A_41 = arith.constant 0 : i32
    %dma_start3A_42 = tpu.memref_slice %arg4[%dma_start3A_40, %dma_start3A_41] : memref<256x256xf32, #tpu.memory_space<vmem>> -> memref<64x256xf32, #tpu.memory_space<vmem>>
    %dma_start3A_43 = arith.constant 0 : i32
    %dma_start3A_44 = tpu.memref_slice %arg2[%add3A_39, %dma_start3A_43] : memref<8192x256xf32, #tpu.memory_space<hbm>> -> memref<64x256xf32, #tpu.memory_space<hbm>>
    %dma_start3A_45 = arith.constant 192 : i32
    %dma_start3A_46 = arith.constant 0 : i32
    %dma_start3A_47 = tpu.memref_slice %arg4[%dma_start3A_45, %dma_start3A_46] : memref<256x256xf32, #tpu.memory_space<vmem>> -> memref<64x256xf32, #tpu.memory_space<vmem>>
    %dma_start3A_48 = arith.constant 0 : i32
    %dma_start3A_49 = tpu.memref_slice %arg2[%add3A_39, %dma_start3A_48] : memref<8192x256xf32, #tpu.memory_space<hbm>> -> memref<64x256xf32, #tpu.memory_space<hbm>>
    tpu.enqueue_dma source(%dma_start3A_49 : memref<64x256xf32, #tpu.memory_space<hbm>>) target(%dma_start3A_47 : memref<64x256xf32, #tpu.memory_space<vmem>>) target_semaphore(%arg5 : memref<!tpu.dma_semaphore, #tpu.memory_space<semaphore_mem>>)
    %dma_wait3A = arith.constant 0 : i32
    %dma_wait3A_50 = arith.constant 0 : i32
    %dma_wait3A_51 = tpu.memref_slice %arg4[%dma_wait3A, %dma_wait3A_50] : memref<256x256xf32, #tpu.memory_space<vmem>> -> memref<64x256xf32, #tpu.memory_space<vmem>>
    %dma_wait3A_52 = arith.constant 0 : i32
    %dma_wait3A_53 = tpu.memref_slice %arg2[%add3A_4, %dma_wait3A_52] : memref<8192x256xf32, #tpu.memory_space<hbm>> -> memref<64x256xf32, #tpu.memory_space<hbm>>
    %dma_wait3A_54 = arith.constant 0 : i32
    %dma_wait3A_55 = arith.constant 0 : i32
    %dma_wait3A_56 = tpu.memref_slice %arg4[%dma_wait3A_54, %dma_wait3A_55] : memref<256x256xf32, #tpu.memory_space<vmem>> -> memref<64x256xf32, #tpu.memory_space<vmem>>
    %dma_wait3A_57 = arith.constant 0 : i32
    %dma_wait3A_58 = tpu.memref_slice %arg2[%add3A_4, %dma_wait3A_57] : memref<8192x256xf32, #tpu.memory_space<hbm>> -> memref<64x256xf32, #tpu.memory_space<hbm>>
    tpu.wait_dma2 semaphore(%arg5 : memref<!tpu.dma_semaphore, #tpu.memory_space<semaphore_mem>>) src(%dma_wait3A_58 : memref<64x256xf32, #tpu.memory_space<hbm>>) dst(%dma_wait3A_56 : memref<64x256xf32, #tpu.memory_space<vmem>>)
    %add3A_59 = arith.constant 0 : i32
    %add3A_60 = arith.addi %add3A_59, %mul3A_2 : i32
    %add3A_61 = arith.constant 0 : i32
    %add3A_62 = arith.addi %add3A_60, %add3A_61 : i32
    %dma_start3A_63 = arith.constant 0 : i32
    %dma_start3A_64 = arith.constant 0 : i32
    %dma_start3A_65 = tpu.memref_slice %arg4[%dma_start3A_63, %dma_start3A_64] : memref<256x256xf32, #tpu.memory_space<vmem>> -> memref<64x256xf32, #tpu.memory_space<vmem>>
    %dma_start3A_66 = arith.constant 0 : i32
    %dma_start3A_67 = tpu.memref_slice %arg3[%add3A_62, %dma_start3A_66] : memref<32768x256xf32, #tpu.memory_space<hbm>> -> memref<64x256xf32, #tpu.memory_space<hbm>>
    %dma_start3A_68 = arith.constant 0 : i32
    %dma_start3A_69 = tpu.memref_slice %arg3[%add3A_62, %dma_start3A_68] : memref<32768x256xf32, #tpu.memory_space<hbm>> -> memref<64x256xf32, #tpu.memory_space<hbm>>
    %dma_start3A_70 = arith.constant 0 : i32
    %dma_start3A_71 = arith.constant 0 : i32
    %dma_start3A_72 = tpu.memref_slice %arg4[%dma_start3A_70, %dma_start3A_71] : memref<256x256xf32, #tpu.memory_space<vmem>> -> memref<64x256xf32, #tpu.memory_space<vmem>>
    tpu.enqueue_dma source(%dma_start3A_72 : memref<64x256xf32, #tpu.memory_space<vmem>>) target(%dma_start3A_69 : memref<64x256xf32, #tpu.memory_space<hbm>>) target_semaphore(%arg6 : memref<!tpu.dma_semaphore, #tpu.memory_space<semaphore_mem>>)
    %add3A_73 = arith.constant 8192 : i32
    %add3A_74 = arith.addi %add3A_73, %mul3A_2 : i32
    %add3A_75 = arith.constant 0 : i32
    %add3A_76 = arith.addi %add3A_74, %add3A_75 : i32
    %dma_start3A_77 = arith.constant 0 : i32
    %dma_start3A_78 = arith.constant 0 : i32
    %dma_start3A_79 = tpu.memref_slice %arg4[%dma_start3A_77, %dma_start3A_78] : memref<256x256xf32, #tpu.memory_space<vmem>> -> memref<64x256xf32, #tpu.memory_space<vmem>>
    %dma_start3A_80 = arith.constant 0 : i32
    %dma_start3A_81 = tpu.memref_slice %arg3[%add3A_76, %dma_start3A_80] : memref<32768x256xf32, #tpu.memory_space<hbm>> -> memref<64x256xf32, #tpu.memory_space<hbm>>
    %dma_start3A_82 = arith.constant 0 : i32
    %dma_start3A_83 = tpu.memref_slice %arg3[%add3A_76, %dma_start3A_82] : memref<32768x256xf32, #tpu.memory_space<hbm>> -> memref<64x256xf32, #tpu.memory_space<hbm>>
    %dma_start3A_84 = arith.constant 0 : i32
    %dma_start3A_85 = arith.constant 0 : i32
    %dma_start3A_86 = tpu.memref_slice %arg4[%dma_start3A_84, %dma_start3A_85] : memref<256x256xf32, #tpu.memory_space<vmem>> -> memref<64x256xf32, #tpu.memory_space<vmem>>
    tpu.enqueue_dma source(%dma_start3A_86 : memref<64x256xf32, #tpu.memory_space<vmem>>) target(%dma_start3A_83 : memref<64x256xf32, #tpu.memory_space<hbm>>) target_semaphore(%arg6 : memref<!tpu.dma_semaphore, #tpu.memory_space<semaphore_mem>>)
    %add3A_87 = arith.constant 16384 : i32
    %add3A_88 = arith.addi %add3A_87, %mul3A_2 : i32
    %add3A_89 = arith.constant 0 : i32
    %add3A_90 = arith.addi %add3A_88, %add3A_89 : i32
    %dma_start3A_91 = arith.constant 0 : i32
    %dma_start3A_92 = arith.constant 0 : i32
    %dma_start3A_93 = tpu.memref_slice %arg4[%dma_start3A_91, %dma_start3A_92] : memref<256x256xf32, #tpu.memory_space<vmem>> -> memref<64x256xf32, #tpu.memory_space<vmem>>
    %dma_start3A_94 = arith.constant 0 : i32
    %dma_start3A_95 = tpu.memref_slice %arg3[%add3A_90, %dma_start3A_94] : memref<32768x256xf32, #tpu.memory_space<hbm>> -> memref<64x256xf32, #tpu.memory_space<hbm>>
    %dma_start3A_96 = arith.constant 0 : i32
    %dma_start3A_97 = tpu.memref_slice %arg3[%add3A_90, %dma_start3A_96] : memref<32768x256xf32, #tpu.memory_space<hbm>> -> memref<64x256xf32, #tpu.memory_space<hbm>>
    %dma_start3A_98 = arith.constant 0 : i32
    %dma_start3A_99 = arith.constant 0 : i32
    %dma_start3A_100 = tpu.memref_slice %arg4[%dma_start3A_98, %dma_start3A_99] : memref<256x256xf32, #tpu.memory_space<vmem>> -> memref<64x256xf32, #tpu.memory_space<vmem>>
    tpu.enqueue_dma source(%dma_start3A_100 : memref<64x256xf32, #tpu.memory_space<vmem>>) target(%dma_start3A_97 : memref<64x256xf32, #tpu.memory_space<hbm>>) target_semaphore(%arg6 : memref<!tpu.dma_semaphore, #tpu.memory_space<semaphore_mem>>)
    %add3A_101 = arith.constant 24576 : i32
    %add3A_102 = arith.addi %add3A_101, %mul3A_2 : i32
    %add3A_103 = arith.constant 0 : i32
    %add3A_104 = arith.addi %add3A_102, %add3A_103 : i32
    %dma_start3A_105 = arith.constant 0 : i32
    %dma_start3A_106 = arith.constant 0 : i32
    %dma_start3A_107 = tpu.memref_slice %arg4[%dma_start3A_105, %dma_start3A_106] : memref<256x256xf32, #tpu.memory_space<vmem>> -> memref<64x256xf32, #tpu.memory_space<vmem>>
    %dma_start3A_108 = arith.constant 0 : i32
    %dma_start3A_109 = tpu.memref_slice %arg3[%add3A_104, %dma_start3A_108] : memref<32768x256xf32, #tpu.memory_space<hbm>> -> memref<64x256xf32, #tpu.memory_space<hbm>>
    %dma_start3A_110 = arith.constant 0 : i32
    %dma_start3A_111 = tpu.memref_slice %arg3[%add3A_104, %dma_start3A_110] : memref<32768x256xf32, #tpu.memory_space<hbm>> -> memref<64x256xf32, #tpu.memory_space<hbm>>
    %dma_start3A_112 = arith.constant 0 : i32
    %dma_start3A_113 = arith.constant 0 : i32
    %dma_start3A_114 = tpu.memref_slice %arg4[%dma_start3A_112, %dma_start3A_113] : memref<256x256xf32, #tpu.memory_space<vmem>> -> memref<64x256xf32, #tpu.memory_space<vmem>>
    tpu.enqueue_dma source(%dma_start3A_114 : memref<64x256xf32, #tpu.memory_space<vmem>>) target(%dma_start3A_111 : memref<64x256xf32, #tpu.memory_space<hbm>>) target_semaphore(%arg6 : memref<!tpu.dma_semaphore, #tpu.memory_space<semaphore_mem>>)
    %dma_wait3A_115 = arith.constant 64 : i32
    %dma_wait3A_116 = arith.constant 0 : i32
    %dma_wait3A_117 = tpu.memref_slice %arg4[%dma_wait3A_115, %dma_wait3A_116] : memref<256x256xf32, #tpu.memory_space<vmem>> -> memref<64x256xf32, #tpu.memory_space<vmem>>
    %dma_wait3A_118 = arith.constant 0 : i32
    %dma_wait3A_119 = tpu.memref_slice %arg2[%add3A_15, %dma_wait3A_118] : memref<8192x256xf32, #tpu.memory_space<hbm>> -> memref<64x256xf32, #tpu.memory_space<hbm>>
    %dma_wait3A_120 = arith.constant 64 : i32
    %dma_wait3A_121 = arith.constant 0 : i32
    %dma_wait3A_122 = tpu.memref_slice %arg4[%dma_wait3A_120, %dma_wait3A_121] : memref<256x256xf32, #tpu.memory_space<vmem>> -> memref<64x256xf32, #tpu.memory_space<vmem>>
    %dma_wait3A_123 = arith.constant 0 : i32
    %dma_wait3A_124 = tpu.memref_slice %arg2[%add3A_15, %dma_wait3A_123] : memref<8192x256xf32, #tpu.memory_space<hbm>> -> memref<64x256xf32, #tpu.memory_space<hbm>>
    tpu.wait_dma2 semaphore(%arg5 : memref<!tpu.dma_semaphore, #tpu.memory_space<semaphore_mem>>) src(%dma_wait3A_124 : memref<64x256xf32, #tpu.memory_space<hbm>>) dst(%dma_wait3A_122 : memref<64x256xf32, #tpu.memory_space<vmem>>)
    %add3A_125 = arith.constant 0 : i32
    %add3A_126 = arith.addi %add3A_125, %mul3A_2 : i32
    %add3A_127 = arith.constant 64 : i32
    %add3A_128 = arith.addi %add3A_126, %add3A_127 : i32
    %dma_start3A_129 = arith.constant 64 : i32
    %dma_start3A_130 = arith.constant 0 : i32
    %dma_start3A_131 = tpu.memref_slice %arg4[%dma_start3A_129, %dma_start3A_130] : memref<256x256xf32, #tpu.memory_space<vmem>> -> memref<64x256xf32, #tpu.memory_space<vmem>>
    %dma_start3A_132 = arith.constant 0 : i32
    %dma_start3A_133 = tpu.memref_slice %arg3[%add3A_128, %dma_start3A_132] : memref<32768x256xf32, #tpu.memory_space<hbm>> -> memref<64x256xf32, #tpu.memory_space<hbm>>
    %dma_start3A_134 = arith.constant 0 : i32
    %dma_start3A_135 = tpu.memref_slice %arg3[%add3A_128, %dma_start3A_134] : memref<32768x256xf32, #tpu.memory_space<hbm>> -> memref<64x256xf32, #tpu.memory_space<hbm>>
    %dma_start3A_136 = arith.constant 64 : i32
    %dma_start3A_137 = arith.constant 0 : i32
    %dma_start3A_138 = tpu.memref_slice %arg4[%dma_start3A_136, %dma_start3A_137] : memref<256x256xf32, #tpu.memory_space<vmem>> -> memref<64x256xf32, #tpu.memory_space<vmem>>
    tpu.enqueue_dma source(%dma_start3A_138 : memref<64x256xf32, #tpu.memory_space<vmem>>) target(%dma_start3A_135 : memref<64x256xf32, #tpu.memory_space<hbm>>) target_semaphore(%arg6 : memref<!tpu.dma_semaphore, #tpu.memory_space<semaphore_mem>>)
    %add3A_139 = arith.constant 8192 : i32
    %add3A_140 = arith.addi %add3A_139, %mul3A_2 : i32
    %add3A_141 = arith.constant 64 : i32
    %add3A_142 = arith.addi %add3A_140, %add3A_141 : i32
    %dma_start3A_143 = arith.constant 64 : i32
    %dma_start3A_144 = arith.constant 0 : i32
    %dma_start3A_145 = tpu.memref_slice %arg4[%dma_start3A_143, %dma_start3A_144] : memref<256x256xf32, #tpu.memory_space<vmem>> -> memref<64x256xf32, #tpu.memory_space<vmem>>
    %dma_start3A_146 = arith.constant 0 : i32
    %dma_start3A_147 = tpu.memref_slice %arg3[%add3A_142, %dma_start3A_146] : memref<32768x256xf32, #tpu.memory_space<hbm>> -> memref<64x256xf32, #tpu.memory_space<hbm>>
    %dma_start3A_148 = arith.constant 0 : i32
    %dma_start3A_149 = tpu.memref_slice %arg3[%add3A_142, %dma_start3A_148] : memref<32768x256xf32, #tpu.memory_space<hbm>> -> memref<64x256xf32, #tpu.memory_space<hbm>>
    %dma_start3A_150 = arith.constant 64 : i32
    %dma_start3A_151 = arith.constant 0 : i32
    %dma_start3A_152 = tpu.memref_slice %arg4[%dma_start3A_150, %dma_start3A_151] : memref<256x256xf32, #tpu.memory_space<vmem>> -> memref<64x256xf32, #tpu.memory_space<vmem>>
    tpu.enqueue_dma source(%dma_start3A_152 : memref<64x256xf32, #tpu.memory_space<vmem>>) target(%dma_start3A_149 : memref<64x256xf32, #tpu.memory_space<hbm>>) target_semaphore(%arg6 : memref<!tpu.dma_semaphore, #tpu.memory_space<semaphore_mem>>)
    %add3A_153 = arith.constant 16384 : i32
    %add3A_154 = arith.addi %add3A_153, %mul3A_2 : i32
    %add3A_155 = arith.constant 64 : i32
    %add3A_156 = arith.addi %add3A_154, %add3A_155 : i32
    %dma_start3A_157 = arith.constant 64 : i32
    %dma_start3A_158 = arith.constant 0 : i32
    %dma_start3A_159 = tpu.memref_slice %arg4[%dma_start3A_157, %dma_start3A_158] : memref<256x256xf32, #tpu.memory_space<vmem>> -> memref<64x256xf32, #tpu.memory_space<vmem>>
    %dma_start3A_160 = arith.constant 0 : i32
    %dma_start3A_161 = tpu.memref_slice %arg3[%add3A_156, %dma_start3A_160] : memref<32768x256xf32, #tpu.memory_space<hbm>> -> memref<64x256xf32, #tpu.memory_space<hbm>>
    %dma_start3A_162 = arith.constant 0 : i32
    %dma_start3A_163 = tpu.memref_slice %arg3[%add3A_156, %dma_start3A_162] : memref<32768x256xf32, #tpu.memory_space<hbm>> -> memref<64x256xf32, #tpu.memory_space<hbm>>
    %dma_start3A_164 = arith.constant 64 : i32
    %dma_start3A_165 = arith.constant 0 : i32
    %dma_start3A_166 = tpu.memref_slice %arg4[%dma_start3A_164, %dma_start3A_165] : memref<256x256xf32, #tpu.memory_space<vmem>> -> memref<64x256xf32, #tpu.memory_space<vmem>>
    tpu.enqueue_dma source(%dma_start3A_166 : memref<64x256xf32, #tpu.memory_space<vmem>>) target(%dma_start3A_163 : memref<64x256xf32, #tpu.memory_space<hbm>>) target_semaphore(%arg6 : memref<!tpu.dma_semaphore, #tpu.memory_space<semaphore_mem>>)
    %add3A_167 = arith.constant 24576 : i32
    %add3A_168 = arith.addi %add3A_167, %mul3A_2 : i32
    %add3A_169 = arith.constant 64 : i32
    %add3A_170 = arith.addi %add3A_168, %add3A_169 : i32
    %dma_start3A_171 = arith.constant 64 : i32
    %dma_start3A_172 = arith.constant 0 : i32
    %dma_start3A_173 = tpu.memref_slice %arg4[%dma_start3A_171, %dma_start3A_172] : memref<256x256xf32, #tpu.memory_space<vmem>> -> memref<64x256xf32, #tpu.memory_space<vmem>>
    %dma_start3A_174 = arith.constant 0 : i32
    %dma_start3A_175 = tpu.memref_slice %arg3[%add3A_170, %dma_start3A_174] : memref<32768x256xf32, #tpu.memory_space<hbm>> -> memref<64x256xf32, #tpu.memory_space<hbm>>
    %dma_start3A_176 = arith.constant 0 : i32
    %dma_start3A_177 = tpu.memref_slice %arg3[%add3A_170, %dma_start3A_176] : memref<32768x256xf32, #tpu.memory_space<hbm>> -> memref<64x256xf32, #tpu.memory_space<hbm>>
    %dma_start3A_178 = arith.constant 64 : i32
    %dma_start3A_179 = arith.constant 0 : i32
    %dma_start3A_180 = tpu.memref_slice %arg4[%dma_start3A_178, %dma_start3A_179] : memref<256x256xf32, #tpu.memory_space<vmem>> -> memref<64x256xf32, #tpu.memory_space<vmem>>
    tpu.enqueue_dma source(%dma_start3A_180 : memref<64x256xf32, #tpu.memory_space<vmem>>) target(%dma_start3A_177 : memref<64x256xf32, #tpu.memory_space<hbm>>) target_semaphore(%arg6 : memref<!tpu.dma_semaphore, #tpu.memory_space<semaphore_mem>>)
    %dma_wait3A_181 = arith.constant 128 : i32
    %dma_wait3A_182 = arith.constant 0 : i32
    %dma_wait3A_183 = tpu.memref_slice %arg4[%dma_wait3A_181, %dma_wait3A_182] : memref<256x256xf32, #tpu.memory_space<vmem>> -> memref<64x256xf32, #tpu.memory_space<vmem>>
    %dma_wait3A_184 = arith.constant 0 : i32
    %dma_wait3A_185 = tpu.memref_slice %arg2[%add3A_27, %dma_wait3A_184] : memref<8192x256xf32, #tpu.memory_space<hbm>> -> memref<64x256xf32, #tpu.memory_space<hbm>>
    %dma_wait3A_186 = arith.constant 128 : i32
    %dma_wait3A_187 = arith.constant 0 : i32
    %dma_wait3A_188 = tpu.memref_slice %arg4[%dma_wait3A_186, %dma_wait3A_187] : memref<256x256xf32, #tpu.memory_space<vmem>> -> memref<64x256xf32, #tpu.memory_space<vmem>>
    %dma_wait3A_189 = arith.constant 0 : i32
    %dma_wait3A_190 = tpu.memref_slice %arg2[%add3A_27, %dma_wait3A_189] : memref<8192x256xf32, #tpu.memory_space<hbm>> -> memref<64x256xf32, #tpu.memory_space<hbm>>
    tpu.wait_dma2 semaphore(%arg5 : memref<!tpu.dma_semaphore, #tpu.memory_space<semaphore_mem>>) src(%dma_wait3A_190 : memref<64x256xf32, #tpu.memory_space<hbm>>) dst(%dma_wait3A_188 : memref<64x256xf32, #tpu.memory_space<vmem>>)
    %add3A_191 = arith.constant 0 : i32
    %add3A_192 = arith.addi %add3A_191, %mul3A_2 : i32
    %add3A_193 = arith.constant 128 : i32
    %add3A_194 = arith.addi %add3A_192, %add3A_193 : i32
    %dma_start3A_195 = arith.constant 128 : i32
    %dma_start3A_196 = arith.constant 0 : i32
    %dma_start3A_197 = tpu.memref_slice %arg4[%dma_start3A_195, %dma_start3A_196] : memref<256x256xf32, #tpu.memory_space<vmem>> -> memref<64x256xf32, #tpu.memory_space<vmem>>
    %dma_start3A_198 = arith.constant 0 : i32
    %dma_start3A_199 = tpu.memref_slice %arg3[%add3A_194, %dma_start3A_198] : memref<32768x256xf32, #tpu.memory_space<hbm>> -> memref<64x256xf32, #tpu.memory_space<hbm>>
    %dma_start3A_200 = arith.constant 0 : i32
    %dma_start3A_201 = tpu.memref_slice %arg3[%add3A_194, %dma_start3A_200] : memref<32768x256xf32, #tpu.memory_space<hbm>> -> memref<64x256xf32, #tpu.memory_space<hbm>>
    %dma_start3A_202 = arith.constant 128 : i32
    %dma_start3A_203 = arith.constant 0 : i32
    %dma_start3A_204 = tpu.memref_slice %arg4[%dma_start3A_202, %dma_start3A_203] : memref<256x256xf32, #tpu.memory_space<vmem>> -> memref<64x256xf32, #tpu.memory_space<vmem>>
    tpu.enqueue_dma source(%dma_start3A_204 : memref<64x256xf32, #tpu.memory_space<vmem>>) target(%dma_start3A_201 : memref<64x256xf32, #tpu.memory_space<hbm>>) target_semaphore(%arg6 : memref<!tpu.dma_semaphore, #tpu.memory_space<semaphore_mem>>)
    %add3A_205 = arith.constant 8192 : i32
    %add3A_206 = arith.addi %add3A_205, %mul3A_2 : i32
    %add3A_207 = arith.constant 128 : i32
    %add3A_208 = arith.addi %add3A_206, %add3A_207 : i32
    %dma_start3A_209 = arith.constant 128 : i32
    %dma_start3A_210 = arith.constant 0 : i32
    %dma_start3A_211 = tpu.memref_slice %arg4[%dma_start3A_209, %dma_start3A_210] : memref<256x256xf32, #tpu.memory_space<vmem>> -> memref<64x256xf32, #tpu.memory_space<vmem>>
    %dma_start3A_212 = arith.constant 0 : i32
    %dma_start3A_213 = tpu.memref_slice %arg3[%add3A_208, %dma_start3A_212] : memref<32768x256xf32, #tpu.memory_space<hbm>> -> memref<64x256xf32, #tpu.memory_space<hbm>>
    %dma_start3A_214 = arith.constant 0 : i32
    %dma_start3A_215 = tpu.memref_slice %arg3[%add3A_208, %dma_start3A_214] : memref<32768x256xf32, #tpu.memory_space<hbm>> -> memref<64x256xf32, #tpu.memory_space<hbm>>
    %dma_start3A_216 = arith.constant 128 : i32
    %dma_start3A_217 = arith.constant 0 : i32
    %dma_start3A_218 = tpu.memref_slice %arg4[%dma_start3A_216, %dma_start3A_217] : memref<256x256xf32, #tpu.memory_space<vmem>> -> memref<64x256xf32, #tpu.memory_space<vmem>>
    tpu.enqueue_dma source(%dma_start3A_218 : memref<64x256xf32, #tpu.memory_space<vmem>>) target(%dma_start3A_215 : memref<64x256xf32, #tpu.memory_space<hbm>>) target_semaphore(%arg6 : memref<!tpu.dma_semaphore, #tpu.memory_space<semaphore_mem>>)
    %add3A_219 = arith.constant 16384 : i32
    %add3A_220 = arith.addi %add3A_219, %mul3A_2 : i32
    %add3A_221 = arith.constant 128 : i32
    %add3A_222 = arith.addi %add3A_220, %add3A_221 : i32
    %dma_start3A_223 = arith.constant 128 : i32
    %dma_start3A_224 = arith.constant 0 : i32
    %dma_start3A_225 = tpu.memref_slice %arg4[%dma_start3A_223, %dma_start3A_224] : memref<256x256xf32, #tpu.memory_space<vmem>> -> memref<64x256xf32, #tpu.memory_space<vmem>>
    %dma_start3A_226 = arith.constant 0 : i32
    %dma_start3A_227 = tpu.memref_slice %arg3[%add3A_222, %dma_start3A_226] : memref<32768x256xf32, #tpu.memory_space<hbm>> -> memref<64x256xf32, #tpu.memory_space<hbm>>
    %dma_start3A_228 = arith.constant 0 : i32
    %dma_start3A_229 = tpu.memref_slice %arg3[%add3A_222, %dma_start3A_228] : memref<32768x256xf32, #tpu.memory_space<hbm>> -> memref<64x256xf32, #tpu.memory_space<hbm>>
    %dma_start3A_230 = arith.constant 128 : i32
    %dma_start3A_231 = arith.constant 0 : i32
    %dma_start3A_232 = tpu.memref_slice %arg4[%dma_start3A_230, %dma_start3A_231] : memref<256x256xf32, #tpu.memory_space<vmem>> -> memref<64x256xf32, #tpu.memory_space<vmem>>
    tpu.enqueue_dma source(%dma_start3A_232 : memref<64x256xf32, #tpu.memory_space<vmem>>) target(%dma_start3A_229 : memref<64x256xf32, #tpu.memory_space<hbm>>) target_semaphore(%arg6 : memref<!tpu.dma_semaphore, #tpu.memory_space<semaphore_mem>>)
    %add3A_233 = arith.constant 24576 : i32
    %add3A_234 = arith.addi %add3A_233, %mul3A_2 : i32
    %add3A_235 = arith.constant 128 : i32
    %add3A_236 = arith.addi %add3A_234, %add3A_235 : i32
    %dma_start3A_237 = arith.constant 128 : i32
    %dma_start3A_238 = arith.constant 0 : i32
    %dma_start3A_239 = tpu.memref_slice %arg4[%dma_start3A_237, %dma_start3A_238] : memref<256x256xf32, #tpu.memory_space<vmem>> -> memref<64x256xf32, #tpu.memory_space<vmem>>
    %dma_start3A_240 = arith.constant 0 : i32
    %dma_start3A_241 = tpu.memref_slice %arg3[%add3A_236, %dma_start3A_240] : memref<32768x256xf32, #tpu.memory_space<hbm>> -> memref<64x256xf32, #tpu.memory_space<hbm>>
    %dma_start3A_242 = arith.constant 0 : i32
    %dma_start3A_243 = tpu.memref_slice %arg3[%add3A_236, %dma_start3A_242] : memref<32768x256xf32, #tpu.memory_space<hbm>> -> memref<64x256xf32, #tpu.memory_space<hbm>>
    %dma_start3A_244 = arith.constant 128 : i32
    %dma_start3A_245 = arith.constant 0 : i32
    %dma_start3A_246 = tpu.memref_slice %arg4[%dma_start3A_244, %dma_start3A_245] : memref<256x256xf32, #tpu.memory_space<vmem>> -> memref<64x256xf32, #tpu.memory_space<vmem>>
    tpu.enqueue_dma source(%dma_start3A_246 : memref<64x256xf32, #tpu.memory_space<vmem>>) target(%dma_start3A_243 : memref<64x256xf32, #tpu.memory_space<hbm>>) target_semaphore(%arg6 : memref<!tpu.dma_semaphore, #tpu.memory_space<semaphore_mem>>)
    %dma_wait3A_247 = arith.constant 192 : i32
    %dma_wait3A_248 = arith.constant 0 : i32
    %dma_wait3A_249 = tpu.memref_slice %arg4[%dma_wait3A_247, %dma_wait3A_248] : memref<256x256xf32, #tpu.memory_space<vmem>> -> memref<64x256xf32, #tpu.memory_space<vmem>>
    %dma_wait3A_250 = arith.constant 0 : i32
    %dma_wait3A_251 = tpu.memref_slice %arg2[%add3A_39, %dma_wait3A_250] : memref<8192x256xf32, #tpu.memory_space<hbm>> -> memref<64x256xf32, #tpu.memory_space<hbm>>
    %dma_wait3A_252 = arith.constant 192 : i32
    %dma_wait3A_253 = arith.constant 0 : i32
    %dma_wait3A_254 = tpu.memref_slice %arg4[%dma_wait3A_252, %dma_wait3A_253] : memref<256x256xf32, #tpu.memory_space<vmem>> -> memref<64x256xf32, #tpu.memory_space<vmem>>
    %dma_wait3A_255 = arith.constant 0 : i32
    %dma_wait3A_256 = tpu.memref_slice %arg2[%add3A_39, %dma_wait3A_255] : memref<8192x256xf32, #tpu.memory_space<hbm>> -> memref<64x256xf32, #tpu.memory_space<hbm>>
    tpu.wait_dma2 semaphore(%arg5 : memref<!tpu.dma_semaphore, #tpu.memory_space<semaphore_mem>>) src(%dma_wait3A_256 : memref<64x256xf32, #tpu.memory_space<hbm>>) dst(%dma_wait3A_254 : memref<64x256xf32, #tpu.memory_space<vmem>>)
    %add3A_257 = arith.constant 0 : i32
    %add3A_258 = arith.addi %add3A_257, %mul3A_2 : i32
    %add3A_259 = arith.constant 192 : i32
    %add3A_260 = arith.addi %add3A_258, %add3A_259 : i32
    %dma_start3A_261 = arith.constant 192 : i32
    %dma_start3A_262 = arith.constant 0 : i32
    %dma_start3A_263 = tpu.memref_slice %arg4[%dma_start3A_261, %dma_start3A_262] : memref<256x256xf32, #tpu.memory_space<vmem>> -> memref<64x256xf32, #tpu.memory_space<vmem>>
    %dma_start3A_264 = arith.constant 0 : i32
    %dma_start3A_265 = tpu.memref_slice %arg3[%add3A_260, %dma_start3A_264] : memref<32768x256xf32, #tpu.memory_space<hbm>> -> memref<64x256xf32, #tpu.memory_space<hbm>>
    %dma_start3A_266 = arith.constant 0 : i32
    %dma_start3A_267 = tpu.memref_slice %arg3[%add3A_260, %dma_start3A_266] : memref<32768x256xf32, #tpu.memory_space<hbm>> -> memref<64x256xf32, #tpu.memory_space<hbm>>
    %dma_start3A_268 = arith.constant 192 : i32
    %dma_start3A_269 = arith.constant 0 : i32
    %dma_start3A_270 = tpu.memref_slice %arg4[%dma_start3A_268, %dma_start3A_269] : memref<256x256xf32, #tpu.memory_space<vmem>> -> memref<64x256xf32, #tpu.memory_space<vmem>>
    tpu.enqueue_dma source(%dma_start3A_270 : memref<64x256xf32, #tpu.memory_space<vmem>>) target(%dma_start3A_267 : memref<64x256xf32, #tpu.memory_space<hbm>>) target_semaphore(%arg6 : memref<!tpu.dma_semaphore, #tpu.memory_space<semaphore_mem>>)
    %add3A_271 = arith.constant 8192 : i32
    %add3A_272 = arith.addi %add3A_271, %mul3A_2 : i32
    %add3A_273 = arith.constant 192 : i32
    %add3A_274 = arith.addi %add3A_272, %add3A_273 : i32
    %dma_start3A_275 = arith.constant 192 : i32
    %dma_start3A_276 = arith.constant 0 : i32
    %dma_start3A_277 = tpu.memref_slice %arg4[%dma_start3A_275, %dma_start3A_276] : memref<256x256xf32, #tpu.memory_space<vmem>> -> memref<64x256xf32, #tpu.memory_space<vmem>>
    %dma_start3A_278 = arith.constant 0 : i32
    %dma_start3A_279 = tpu.memref_slice %arg3[%add3A_274, %dma_start3A_278] : memref<32768x256xf32, #tpu.memory_space<hbm>> -> memref<64x256xf32, #tpu.memory_space<hbm>>
    %dma_start3A_280 = arith.constant 0 : i32
    %dma_start3A_281 = tpu.memref_slice %arg3[%add3A_274, %dma_start3A_280] : memref<32768x256xf32, #tpu.memory_space<hbm>> -> memref<64x256xf32, #tpu.memory_space<hbm>>
    %dma_start3A_282 = arith.constant 192 : i32
    %dma_start3A_283 = arith.constant 0 : i32
    %dma_start3A_284 = tpu.memref_slice %arg4[%dma_start3A_282, %dma_start3A_283] : memref<256x256xf32, #tpu.memory_space<vmem>> -> memref<64x256xf32, #tpu.memory_space<vmem>>
    tpu.enqueue_dma source(%dma_start3A_284 : memref<64x256xf32, #tpu.memory_space<vmem>>) target(%dma_start3A_281 : memref<64x256xf32, #tpu.memory_space<hbm>>) target_semaphore(%arg6 : memref<!tpu.dma_semaphore, #tpu.memory_space<semaphore_mem>>)
    %add3A_285 = arith.constant 16384 : i32
    %add3A_286 = arith.addi %add3A_285, %mul3A_2 : i32
    %add3A_287 = arith.constant 192 : i32
    %add3A_288 = arith.addi %add3A_286, %add3A_287 : i32
    %dma_start3A_289 = arith.constant 192 : i32
    %dma_start3A_290 = arith.constant 0 : i32
    %dma_start3A_291 = tpu.memref_slice %arg4[%dma_start3A_289, %dma_start3A_290] : memref<256x256xf32, #tpu.memory_space<vmem>> -> memref<64x256xf32, #tpu.memory_space<vmem>>
    %dma_start3A_292 = arith.constant 0 : i32
    %dma_start3A_293 = tpu.memref_slice %arg3[%add3A_288, %dma_start3A_292] : memref<32768x256xf32, #tpu.memory_space<hbm>> -> memref<64x256xf32, #tpu.memory_space<hbm>>
    %dma_start3A_294 = arith.constant 0 : i32
    %dma_start3A_295 = tpu.memref_slice %arg3[%add3A_288, %dma_start3A_294] : memref<32768x256xf32, #tpu.memory_space<hbm>> -> memref<64x256xf32, #tpu.memory_space<hbm>>
    %dma_start3A_296 = arith.constant 192 : i32
    %dma_start3A_297 = arith.constant 0 : i32
    %dma_start3A_298 = tpu.memref_slice %arg4[%dma_start3A_296, %dma_start3A_297] : memref<256x256xf32, #tpu.memory_space<vmem>> -> memref<64x256xf32, #tpu.memory_space<vmem>>
    tpu.enqueue_dma source(%dma_start3A_298 : memref<64x256xf32, #tpu.memory_space<vmem>>) target(%dma_start3A_295 : memref<64x256xf32, #tpu.memory_space<hbm>>) target_semaphore(%arg6 : memref<!tpu.dma_semaphore, #tpu.memory_space<semaphore_mem>>)
    %add3A_299 = arith.constant 24576 : i32
    %add3A_300 = arith.addi %add3A_299, %mul3A_2 : i32
    %add3A_301 = arith.constant 192 : i32
    %add3A_302 = arith.addi %add3A_300, %add3A_301 : i32
    %dma_start3A_303 = arith.constant 192 : i32
    %dma_start3A_304 = arith.constant 0 : i32
    %dma_start3A_305 = tpu.memref_slice %arg4[%dma_start3A_303, %dma_start3A_304] : memref<256x256xf32, #tpu.memory_space<vmem>> -> memref<64x256xf32, #tpu.memory_space<vmem>>
    %dma_start3A_306 = arith.constant 0 : i32
    %dma_start3A_307 = tpu.memref_slice %arg3[%add3A_302, %dma_start3A_306] : memref<32768x256xf32, #tpu.memory_space<hbm>> -> memref<64x256xf32, #tpu.memory_space<hbm>>
    %dma_start3A_308 = arith.constant 0 : i32
    %dma_start3A_309 = tpu.memref_slice %arg3[%add3A_302, %dma_start3A_308] : memref<32768x256xf32, #tpu.memory_space<hbm>> -> memref<64x256xf32, #tpu.memory_space<hbm>>
    %dma_start3A_310 = arith.constant 192 : i32
    %dma_start3A_311 = arith.constant 0 : i32
    %dma_start3A_312 = tpu.memref_slice %arg4[%dma_start3A_310, %dma_start3A_311] : memref<256x256xf32, #tpu.memory_space<vmem>> -> memref<64x256xf32, #tpu.memory_space<vmem>>
    tpu.enqueue_dma source(%dma_start3A_312 : memref<64x256xf32, #tpu.memory_space<vmem>>) target(%dma_start3A_309 : memref<64x256xf32, #tpu.memory_space<hbm>>) target_semaphore(%arg6 : memref<!tpu.dma_semaphore, #tpu.memory_space<semaphore_mem>>)
    %dma_wait3A_313 = arith.constant 0 : i32
    %dma_wait3A_314 = arith.constant 0 : i32
    %dma_wait3A_315 = tpu.memref_slice %arg4[%dma_wait3A_313, %dma_wait3A_314] : memref<256x256xf32, #tpu.memory_space<vmem>> -> memref<64x256xf32, #tpu.memory_space<vmem>>
    %dma_wait3A_316 = arith.constant 0 : i32
    %dma_wait3A_317 = tpu.memref_slice %arg3[%add3A_62, %dma_wait3A_316] : memref<32768x256xf32, #tpu.memory_space<hbm>> -> memref<64x256xf32, #tpu.memory_space<hbm>>
    %dma_wait3A_318 = arith.constant 0 : i32
    %dma_wait3A_319 = tpu.memref_slice %arg3[%add3A_62, %dma_wait3A_318] : memref<32768x256xf32, #tpu.memory_space<hbm>> -> memref<64x256xf32, #tpu.memory_space<hbm>>
    %dma_wait3A_320 = arith.constant 0 : i32
    %dma_wait3A_321 = arith.constant 0 : i32
    %dma_wait3A_322 = tpu.memref_slice %arg4[%dma_wait3A_320, %dma_wait3A_321] : memref<256x256xf32, #tpu.memory_space<vmem>> -> memref<64x256xf32, #tpu.memory_space<vmem>>
    tpu.wait_dma2 semaphore(%arg6 : memref<!tpu.dma_semaphore, #tpu.memory_space<semaphore_mem>>) src(%dma_wait3A_322 : memref<64x256xf32, #tpu.memory_space<vmem>>) dst(%dma_wait3A_319 : memref<64x256xf32, #tpu.memory_space<hbm>>)
    %dma_wait3A_323 = arith.constant 0 : i32
    %dma_wait3A_324 = arith.constant 0 : i32
    %dma_wait3A_325 = tpu.memref_slice %arg4[%dma_wait3A_323, %dma_wait3A_324] : memref<256x256xf32, #tpu.memory_space<vmem>> -> memref<64x256xf32, #tpu.memory_space<vmem>>
    %dma_wait3A_326 = arith.constant 0 : i32
    %dma_wait3A_327 = tpu.memref_slice %arg3[%add3A_76, %dma_wait3A_326] : memref<32768x256xf32, #tpu.memory_space<hbm>> -> memref<64x256xf32, #tpu.memory_space<hbm>>
    %dma_wait3A_328 = arith.constant 0 : i32
    %dma_wait3A_329 = tpu.memref_slice %arg3[%add3A_76, %dma_wait3A_328] : memref<32768x256xf32, #tpu.memory_space<hbm>> -> memref<64x256xf32, #tpu.memory_space<hbm>>
    %dma_wait3A_330 = arith.constant 0 : i32
    %dma_wait3A_331 = arith.constant 0 : i32
    %dma_wait3A_332 = tpu.memref_slice %arg4[%dma_wait3A_330, %dma_wait3A_331] : memref<256x256xf32, #tpu.memory_space<vmem>> -> memref<64x256xf32, #tpu.memory_space<vmem>>
    tpu.wait_dma2 semaphore(%arg6 : memref<!tpu.dma_semaphore, #tpu.memory_space<semaphore_mem>>) src(%dma_wait3A_332 : memref<64x256xf32, #tpu.memory_space<vmem>>) dst(%dma_wait3A_329 : memref<64x256xf32, #tpu.memory_space<hbm>>)
    %dma_wait3A_333 = arith.constant 0 : i32
    %dma_wait3A_334 = arith.constant 0 : i32
    %dma_wait3A_335 = tpu.memref_slice %arg4[%dma_wait3A_333, %dma_wait3A_334] : memref<256x256xf32, #tpu.memory_space<vmem>> -> memref<64x256xf32, #tpu.memory_space<vmem>>
    %dma_wait3A_336 = arith.constant 0 : i32
    %dma_wait3A_337 = tpu.memref_slice %arg3[%add3A_90, %dma_wait3A_336] : memref<32768x256xf32, #tpu.memory_space<hbm>> -> memref<64x256xf32, #tpu.memory_space<hbm>>
    %dma_wait3A_338 = arith.constant 0 : i32
    %dma_wait3A_339 = tpu.memref_slice %arg3[%add3A_90, %dma_wait3A_338] : memref<32768x256xf32, #tpu.memory_space<hbm>> -> memref<64x256xf32, #tpu.memory_space<hbm>>
    %dma_wait3A_340 = arith.constant 0 : i32
    %dma_wait3A_341 = arith.constant 0 : i32
    %dma_wait3A_342 = tpu.memref_slice %arg4[%dma_wait3A_340, %dma_wait3A_341] : memref<256x256xf32, #tpu.memory_space<vmem>> -> memref<64x256xf32, #tpu.memory_space<vmem>>
    tpu.wait_dma2 semaphore(%arg6 : memref<!tpu.dma_semaphore, #tpu.memory_space<semaphore_mem>>) src(%dma_wait3A_342 : memref<64x256xf32, #tpu.memory_space<vmem>>) dst(%dma_wait3A_339 : memref<64x256xf32, #tpu.memory_space<hbm>>)
    %dma_wait3A_343 = arith.constant 0 : i32
    %dma_wait3A_344 = arith.constant 0 : i32
    %dma_wait3A_345 = tpu.memref_slice %arg4[%dma_wait3A_343, %dma_wait3A_344] : memref<256x256xf32, #tpu.memory_space<vmem>> -> memref<64x256xf32, #tpu.memory_space<vmem>>
    %dma_wait3A_346 = arith.constant 0 : i32
    %dma_wait3A_347 = tpu.memref_slice %arg3[%add3A_104, %dma_wait3A_346] : memref<32768x256xf32, #tpu.memory_space<hbm>> -> memref<64x256xf32, #tpu.memory_space<hbm>>
    %dma_wait3A_348 = arith.constant 0 : i32
    %dma_wait3A_349 = tpu.memref_slice %arg3[%add3A_104, %dma_wait3A_348] : memref<32768x256xf32, #tpu.memory_space<hbm>> -> memref<64x256xf32, #tpu.memory_space<hbm>>
    %dma_wait3A_350 = arith.constant 0 : i32
    %dma_wait3A_351 = arith.constant 0 : i32
    %dma_wait3A_352 = tpu.memref_slice %arg4[%dma_wait3A_350, %dma_wait3A_351] : memref<256x256xf32, #tpu.memory_space<vmem>> -> memref<64x256xf32, #tpu.memory_space<vmem>>
    tpu.wait_dma2 semaphore(%arg6 : memref<!tpu.dma_semaphore, #tpu.memory_space<semaphore_mem>>) src(%dma_wait3A_352 : memref<64x256xf32, #tpu.memory_space<vmem>>) dst(%dma_wait3A_349 : memref<64x256xf32, #tpu.memory_space<hbm>>)
    %dma_wait3A_353 = arith.constant 64 : i32
    %dma_wait3A_354 = arith.constant 0 : i32
    %dma_wait3A_355 = tpu.memref_slice %arg4[%dma_wait3A_353, %dma_wait3A_354] : memref<256x256xf32, #tpu.memory_space<vmem>> -> memref<64x256xf32, #tpu.memory_space<vmem>>
    %dma_wait3A_356 = arith.constant 0 : i32
    %dma_wait3A_357 = tpu.memref_slice %arg3[%add3A_128, %dma_wait3A_356] : memref<32768x256xf32, #tpu.memory_space<hbm>> -> memref<64x256xf32, #tpu.memory_space<hbm>>
    %dma_wait3A_358 = arith.constant 0 : i32
    %dma_wait3A_359 = tpu.memref_slice %arg3[%add3A_128, %dma_wait3A_358] : memref<32768x256xf32, #tpu.memory_space<hbm>> -> memref<64x256xf32, #tpu.memory_space<hbm>>
    %dma_wait3A_360 = arith.constant 64 : i32
    %dma_wait3A_361 = arith.constant 0 : i32
    %dma_wait3A_362 = tpu.memref_slice %arg4[%dma_wait3A_360, %dma_wait3A_361] : memref<256x256xf32, #tpu.memory_space<vmem>> -> memref<64x256xf32, #tpu.memory_space<vmem>>
    tpu.wait_dma2 semaphore(%arg6 : memref<!tpu.dma_semaphore, #tpu.memory_space<semaphore_mem>>) src(%dma_wait3A_362 : memref<64x256xf32, #tpu.memory_space<vmem>>) dst(%dma_wait3A_359 : memref<64x256xf32, #tpu.memory_space<hbm>>)
    %dma_wait3A_363 = arith.constant 64 : i32
    %dma_wait3A_364 = arith.constant 0 : i32
    %dma_wait3A_365 = tpu.memref_slice %arg4[%dma_wait3A_363, %dma_wait3A_364] : memref<256x256xf32, #tpu.memory_space<vmem>> -> memref<64x256xf32, #tpu.memory_space<vmem>>
    %dma_wait3A_366 = arith.constant 0 : i32
    %dma_wait3A_367 = tpu.memref_slice %arg3[%add3A_142, %dma_wait3A_366] : memref<32768x256xf32, #tpu.memory_space<hbm>> -> memref<64x256xf32, #tpu.memory_space<hbm>>
    %dma_wait3A_368 = arith.constant 0 : i32
    %dma_wait3A_369 = tpu.memref_slice %arg3[%add3A_142, %dma_wait3A_368] : memref<32768x256xf32, #tpu.memory_space<hbm>> -> memref<64x256xf32, #tpu.memory_space<hbm>>
    %dma_wait3A_370 = arith.constant 64 : i32
    %dma_wait3A_371 = arith.constant 0 : i32
    %dma_wait3A_372 = tpu.memref_slice %arg4[%dma_wait3A_370, %dma_wait3A_371] : memref<256x256xf32, #tpu.memory_space<vmem>> -> memref<64x256xf32, #tpu.memory_space<vmem>>
    tpu.wait_dma2 semaphore(%arg6 : memref<!tpu.dma_semaphore, #tpu.memory_space<semaphore_mem>>) src(%dma_wait3A_372 : memref<64x256xf32, #tpu.memory_space<vmem>>) dst(%dma_wait3A_369 : memref<64x256xf32, #tpu.memory_space<hbm>>)
    %dma_wait3A_373 = arith.constant 64 : i32
    %dma_wait3A_374 = arith.constant 0 : i32
    %dma_wait3A_375 = tpu.memref_slice %arg4[%dma_wait3A_373, %dma_wait3A_374] : memref<256x256xf32, #tpu.memory_space<vmem>> -> memref<64x256xf32, #tpu.memory_space<vmem>>
    %dma_wait3A_376 = arith.constant 0 : i32
    %dma_wait3A_377 = tpu.memref_slice %arg3[%add3A_156, %dma_wait3A_376] : memref<32768x256xf32, #tpu.memory_space<hbm>> -> memref<64x256xf32, #tpu.memory_space<hbm>>
    %dma_wait3A_378 = arith.constant 0 : i32
    %dma_wait3A_379 = tpu.memref_slice %arg3[%add3A_156, %dma_wait3A_378] : memref<32768x256xf32, #tpu.memory_space<hbm>> -> memref<64x256xf32, #tpu.memory_space<hbm>>
    %dma_wait3A_380 = arith.constant 64 : i32
    %dma_wait3A_381 = arith.constant 0 : i32
    %dma_wait3A_382 = tpu.memref_slice %arg4[%dma_wait3A_380, %dma_wait3A_381] : memref<256x256xf32, #tpu.memory_space<vmem>> -> memref<64x256xf32, #tpu.memory_space<vmem>>
    tpu.wait_dma2 semaphore(%arg6 : memref<!tpu.dma_semaphore, #tpu.memory_space<semaphore_mem>>) src(%dma_wait3A_382 : memref<64x256xf32, #tpu.memory_space<vmem>>) dst(%dma_wait3A_379 : memref<64x256xf32, #tpu.memory_space<hbm>>)
    %dma_wait3A_383 = arith.constant 64 : i32
    %dma_wait3A_384 = arith.constant 0 : i32
    %dma_wait3A_385 = tpu.memref_slice %arg4[%dma_wait3A_383, %dma_wait3A_384] : memref<256x256xf32, #tpu.memory_space<vmem>> -> memref<64x256xf32, #tpu.memory_space<vmem>>
    %dma_wait3A_386 = arith.constant 0 : i32
    %dma_wait3A_387 = tpu.memref_slice %arg3[%add3A_170, %dma_wait3A_386] : memref<32768x256xf32, #tpu.memory_space<hbm>> -> memref<64x256xf32, #tpu.memory_space<hbm>>
    %dma_wait3A_388 = arith.constant 0 : i32
    %dma_wait3A_389 = tpu.memref_slice %arg3[%add3A_170, %dma_wait3A_388] : memref<32768x256xf32, #tpu.memory_space<hbm>> -> memref<64x256xf32, #tpu.memory_space<hbm>>
    %dma_wait3A_390 = arith.constant 64 : i32
    %dma_wait3A_391 = arith.constant 0 : i32
    %dma_wait3A_392 = tpu.memref_slice %arg4[%dma_wait3A_390, %dma_wait3A_391] : memref<256x256xf32, #tpu.memory_space<vmem>> -> memref<64x256xf32, #tpu.memory_space<vmem>>
    tpu.wait_dma2 semaphore(%arg6 : memref<!tpu.dma_semaphore, #tpu.memory_space<semaphore_mem>>) src(%dma_wait3A_392 : memref<64x256xf32, #tpu.memory_space<vmem>>) dst(%dma_wait3A_389 : memref<64x256xf32, #tpu.memory_space<hbm>>)
    %dma_wait3A_393 = arith.constant 128 : i32
    %dma_wait3A_394 = arith.constant 0 : i32
    %dma_wait3A_395 = tpu.memref_slice %arg4[%dma_wait3A_393, %dma_wait3A_394] : memref<256x256xf32, #tpu.memory_space<vmem>> -> memref<64x256xf32, #tpu.memory_space<vmem>>
    %dma_wait3A_396 = arith.constant 0 : i32
    %dma_wait3A_397 = tpu.memref_slice %arg3[%add3A_194, %dma_wait3A_396] : memref<32768x256xf32, #tpu.memory_space<hbm>> -> memref<64x256xf32, #tpu.memory_space<hbm>>
    %dma_wait3A_398 = arith.constant 0 : i32
    %dma_wait3A_399 = tpu.memref_slice %arg3[%add3A_194, %dma_wait3A_398] : memref<32768x256xf32, #tpu.memory_space<hbm>> -> memref<64x256xf32, #tpu.memory_space<hbm>>
    %dma_wait3A_400 = arith.constant 128 : i32
    %dma_wait3A_401 = arith.constant 0 : i32
    %dma_wait3A_402 = tpu.memref_slice %arg4[%dma_wait3A_400, %dma_wait3A_401] : memref<256x256xf32, #tpu.memory_space<vmem>> -> memref<64x256xf32, #tpu.memory_space<vmem>>
    tpu.wait_dma2 semaphore(%arg6 : memref<!tpu.dma_semaphore, #tpu.memory_space<semaphore_mem>>) src(%dma_wait3A_402 : memref<64x256xf32, #tpu.memory_space<vmem>>) dst(%dma_wait3A_399 : memref<64x256xf32, #tpu.memory_space<hbm>>)
    %dma_wait3A_403 = arith.constant 128 : i32
    %dma_wait3A_404 = arith.constant 0 : i32
    %dma_wait3A_405 = tpu.memref_slice %arg4[%dma_wait3A_403, %dma_wait3A_404] : memref<256x256xf32, #tpu.memory_space<vmem>> -> memref<64x256xf32, #tpu.memory_space<vmem>>
    %dma_wait3A_406 = arith.constant 0 : i32
    %dma_wait3A_407 = tpu.memref_slice %arg3[%add3A_208, %dma_wait3A_406] : memref<32768x256xf32, #tpu.memory_space<hbm>> -> memref<64x256xf32, #tpu.memory_space<hbm>>
    %dma_wait3A_408 = arith.constant 0 : i32
    %dma_wait3A_409 = tpu.memref_slice %arg3[%add3A_208, %dma_wait3A_408] : memref<32768x256xf32, #tpu.memory_space<hbm>> -> memref<64x256xf32, #tpu.memory_space<hbm>>
    %dma_wait3A_410 = arith.constant 128 : i32
    %dma_wait3A_411 = arith.constant 0 : i32
    %dma_wait3A_412 = tpu.memref_slice %arg4[%dma_wait3A_410, %dma_wait3A_411] : memref<256x256xf32, #tpu.memory_space<vmem>> -> memref<64x256xf32, #tpu.memory_space<vmem>>
    tpu.wait_dma2 semaphore(%arg6 : memref<!tpu.dma_semaphore, #tpu.memory_space<semaphore_mem>>) src(%dma_wait3A_412 : memref<64x256xf32, #tpu.memory_space<vmem>>) dst(%dma_wait3A_409 : memref<64x256xf32, #tpu.memory_space<hbm>>)
    %dma_wait3A_413 = arith.constant 128 : i32
    %dma_wait3A_414 = arith.constant 0 : i32
    %dma_wait3A_415 = tpu.memref_slice %arg4[%dma_wait3A_413, %dma_wait3A_414] : memref<256x256xf32, #tpu.memory_space<vmem>> -> memref<64x256xf32, #tpu.memory_space<vmem>>
    %dma_wait3A_416 = arith.constant 0 : i32
    %dma_wait3A_417 = tpu.memref_slice %arg3[%add3A_222, %dma_wait3A_416] : memref<32768x256xf32, #tpu.memory_space<hbm>> -> memref<64x256xf32, #tpu.memory_space<hbm>>
    %dma_wait3A_418 = arith.constant 0 : i32
    %dma_wait3A_419 = tpu.memref_slice %arg3[%add3A_222, %dma_wait3A_418] : memref<32768x256xf32, #tpu.memory_space<hbm>> -> memref<64x256xf32, #tpu.memory_space<hbm>>
    %dma_wait3A_420 = arith.constant 128 : i32
    %dma_wait3A_421 = arith.constant 0 : i32
    %dma_wait3A_422 = tpu.memref_slice %arg4[%dma_wait3A_420, %dma_wait3A_421] : memref<256x256xf32, #tpu.memory_space<vmem>> -> memref<64x256xf32, #tpu.memory_space<vmem>>
    tpu.wait_dma2 semaphore(%arg6 : memref<!tpu.dma_semaphore, #tpu.memory_space<semaphore_mem>>) src(%dma_wait3A_422 : memref<64x256xf32, #tpu.memory_space<vmem>>) dst(%dma_wait3A_419 : memref<64x256xf32, #tpu.memory_space<hbm>>)
    %dma_wait3A_423 = arith.constant 128 : i32
    %dma_wait3A_424 = arith.constant 0 : i32
    %dma_wait3A_425 = tpu.memref_slice %arg4[%dma_wait3A_423, %dma_wait3A_424] : memref<256x256xf32, #tpu.memory_space<vmem>> -> memref<64x256xf32, #tpu.memory_space<vmem>>
    %dma_wait3A_426 = arith.constant 0 : i32
    %dma_wait3A_427 = tpu.memref_slice %arg3[%add3A_236, %dma_wait3A_426] : memref<32768x256xf32, #tpu.memory_space<hbm>> -> memref<64x256xf32, #tpu.memory_space<hbm>>
    %dma_wait3A_428 = arith.constant 0 : i32
    %dma_wait3A_429 = tpu.memref_slice %arg3[%add3A_236, %dma_wait3A_428] : memref<32768x256xf32, #tpu.memory_space<hbm>> -> memref<64x256xf32, #tpu.memory_space<hbm>>
    %dma_wait3A_430 = arith.constant 128 : i32
    %dma_wait3A_431 = arith.constant 0 : i32
    %dma_wait3A_432 = tpu.memref_slice %arg4[%dma_wait3A_430, %dma_wait3A_431] : memref<256x256xf32, #tpu.memory_space<vmem>> -> memref<64x256xf32, #tpu.memory_space<vmem>>
    tpu.wait_dma2 semaphore(%arg6 : memref<!tpu.dma_semaphore, #tpu.memory_space<semaphore_mem>>) src(%dma_wait3A_432 : memref<64x256xf32, #tpu.memory_space<vmem>>) dst(%dma_wait3A_429 : memref<64x256xf32, #tpu.memory_space<hbm>>)
    %dma_wait3A_433 = arith.constant 192 : i32
    %dma_wait3A_434 = arith.constant 0 : i32
    %dma_wait3A_435 = tpu.memref_slice %arg4[%dma_wait3A_433, %dma_wait3A_434] : memref<256x256xf32, #tpu.memory_space<vmem>> -> memref<64x256xf32, #tpu.memory_space<vmem>>
    %dma_wait3A_436 = arith.constant 0 : i32
    %dma_wait3A_437 = tpu.memref_slice %arg3[%add3A_260, %dma_wait3A_436] : memref<32768x256xf32, #tpu.memory_space<hbm>> -> memref<64x256xf32, #tpu.memory_space<hbm>>
    %dma_wait3A_438 = arith.constant 0 : i32
    %dma_wait3A_439 = tpu.memref_slice %arg3[%add3A_260, %dma_wait3A_438] : memref<32768x256xf32, #tpu.memory_space<hbm>> -> memref<64x256xf32, #tpu.memory_space<hbm>>
    %dma_wait3A_440 = arith.constant 192 : i32
    %dma_wait3A_441 = arith.constant 0 : i32
    %dma_wait3A_442 = tpu.memref_slice %arg4[%dma_wait3A_440, %dma_wait3A_441] : memref<256x256xf32, #tpu.memory_space<vmem>> -> memref<64x256xf32, #tpu.memory_space<vmem>>
    tpu.wait_dma2 semaphore(%arg6 : memref<!tpu.dma_semaphore, #tpu.memory_space<semaphore_mem>>) src(%dma_wait3A_442 : memref<64x256xf32, #tpu.memory_space<vmem>>) dst(%dma_wait3A_439 : memref<64x256xf32, #tpu.memory_space<hbm>>)
    %dma_wait3A_443 = arith.constant 192 : i32
    %dma_wait3A_444 = arith.constant 0 : i32
    %dma_wait3A_445 = tpu.memref_slice %arg4[%dma_wait3A_443, %dma_wait3A_444] : memref<256x256xf32, #tpu.memory_space<vmem>> -> memref<64x256xf32, #tpu.memory_space<vmem>>
    %dma_wait3A_446 = arith.constant 0 : i32
    %dma_wait3A_447 = tpu.memref_slice %arg3[%add3A_274, %dma_wait3A_446] : memref<32768x256xf32, #tpu.memory_space<hbm>> -> memref<64x256xf32, #tpu.memory_space<hbm>>
    %dma_wait3A_448 = arith.constant 0 : i32
    %dma_wait3A_449 = tpu.memref_slice %arg3[%add3A_274, %dma_wait3A_448] : memref<32768x256xf32, #tpu.memory_space<hbm>> -> memref<64x256xf32, #tpu.memory_space<hbm>>
    %dma_wait3A_450 = arith.constant 192 : i32
    %dma_wait3A_451 = arith.constant 0 : i32
    %dma_wait3A_452 = tpu.memref_slice %arg4[%dma_wait3A_450, %dma_wait3A_451] : memref<256x256xf32, #tpu.memory_space<vmem>> -> memref<64x256xf32, #tpu.memory_space<vmem>>
    tpu.wait_dma2 semaphore(%arg6 : memref<!tpu.dma_semaphore, #tpu.memory_space<semaphore_mem>>) src(%dma_wait3A_452 : memref<64x256xf32, #tpu.memory_space<vmem>>) dst(%dma_wait3A_449 : memref<64x256xf32, #tpu.memory_space<hbm>>)
    %dma_wait3A_453 = arith.constant 192 : i32
    %dma_wait3A_454 = arith.constant 0 : i32
    %dma_wait3A_455 = tpu.memref_slice %arg4[%dma_wait3A_453, %dma_wait3A_454] : memref<256x256xf32, #tpu.memory_space<vmem>> -> memref<64x256xf32, #tpu.memory_space<vmem>>
    %dma_wait3A_456 = arith.constant 0 : i32
    %dma_wait3A_457 = tpu.memref_slice %arg3[%add3A_288, %dma_wait3A_456] : memref<32768x256xf32, #tpu.memory_space<hbm>> -> memref<64x256xf32, #tpu.memory_space<hbm>>
    %dma_wait3A_458 = arith.constant 0 : i32
    %dma_wait3A_459 = tpu.memref_slice %arg3[%add3A_288, %dma_wait3A_458] : memref<32768x256xf32, #tpu.memory_space<hbm>> -> memref<64x256xf32, #tpu.memory_space<hbm>>
    %dma_wait3A_460 = arith.constant 192 : i32
    %dma_wait3A_461 = arith.constant 0 : i32
    %dma_wait3A_462 = tpu.memref_slice %arg4[%dma_wait3A_460, %dma_wait3A_461] : memref<256x256xf32, #tpu.memory_space<vmem>> -> memref<64x256xf32, #tpu.memory_space<vmem>>
    tpu.wait_dma2 semaphore(%arg6 : memref<!tpu.dma_semaphore, #tpu.memory_space<semaphore_mem>>) src(%dma_wait3A_462 : memref<64x256xf32, #tpu.memory_space<vmem>>) dst(%dma_wait3A_459 : memref<64x256xf32, #tpu.memory_space<hbm>>)
    %dma_wait3A_463 = arith.constant 192 : i32
    %dma_wait3A_464 = arith.constant 0 : i32
    %dma_wait3A_465 = tpu.memref_slice %arg4[%dma_wait3A_463, %dma_wait3A_464] : memref<256x256xf32, #tpu.memory_space<vmem>> -> memref<64x256xf32, #tpu.memory_space<vmem>>
    %dma_wait3A_466 = arith.constant 0 : i32
    %dma_wait3A_467 = tpu.memref_slice %arg3[%add3A_302, %dma_wait3A_466] : memref<32768x256xf32, #tpu.memory_space<hbm>> -> memref<64x256xf32, #tpu.memory_space<hbm>>
    %dma_wait3A_468 = arith.constant 0 : i32
    %dma_wait3A_469 = tpu.memref_slice %arg3[%add3A_302, %dma_wait3A_468] : memref<32768x256xf32, #tpu.memory_space<hbm>> -> memref<64x256xf32, #tpu.memory_space<hbm>>
    %dma_wait3A_470 = arith.constant 192 : i32
    %dma_wait3A_471 = arith.constant 0 : i32
    %dma_wait3A_472 = tpu.memref_slice %arg4[%dma_wait3A_470, %dma_wait3A_471] : memref<256x256xf32, #tpu.memory_space<vmem>> -> memref<64x256xf32, #tpu.memory_space<vmem>>
    tpu.wait_dma2 semaphore(%arg6 : memref<!tpu.dma_semaphore, #tpu.memory_space<semaphore_mem>>) src(%dma_wait3A_472 : memref<64x256xf32, #tpu.memory_space<vmem>>) dst(%dma_wait3A_469 : memref<64x256xf32, #tpu.memory_space<hbm>>)
    return
  }
}

</mosaic_0001>

<sc_bundles>
// kernel: kernel.3.cloned.1.call-start
scs
__scs_entry_jumppad:
0x0: {  	(pc) =	sbr.rel $0x88, $3  }
0x1: {  	(tag) =	ssettag $0x0;
	lr =	simm.s32 $0x1  }
0x2: {  	[smem:$0x3FA0] =	sst lr;
	_ =	strace $0xD0000000  }
0x3: {  	_ = 	snop  }
0x4: {  	_ = 	snop  }
0x5: {  	_ = 	snop  }
0x6: {  	_ = 	snop  }
0x7: {  	_ = 	snop  }
__scs_overlays_trampoline_lowered:
0x8: {  	[smem:$0x3FAF] =	sst s0  }
0x9: {  	[smem:$0x3FB0] =	sst s1  }
0xa: {  	[smem:$0x3FB1] =	sst s2  }
0xb: {  	[smem:$0x3FB2] =	sst s3  }
0xc: {  	[smem:$0x3FB3] =	sst s4  }
0xd: {  	[smem:$0x3FB4] =	sst s5  }
0xe: {  	[smem:$0x3FB5] =	sst s6  }
0xf: {  	[smem:$0x3FB6] =	sst s7  }
0x10: {  	[smem:$0x3FB7] =	sst s8  }
0x11: {  	[smem:$0x3FB8] =	sst s9;
	s0 =	simm.s32 @!p0 $0x0  }
0x12: {  	s1 =	sld [smem:$0x3F9E];
	s0 =	simm.s32 @p0 $0x1  }
0x13: {  	[smem:$0x3FB9] =	sst s0;
	s0 =	simm.s32 @!p1 $0x0  }
0x14: {  	s2 =	sld [smem:$0x3F9D];
	s0 =	simm.s32 @p1 $0x1  }
0x15: {  	[smem:$0x3FBA] =	sst s0;
	s0 =	simm.s32 @!p2 $0x0  }
0x16: {  	s3 =	sld [smem:$0x3FDB];
	s0 =	simm.s32 @p2 $0x1  }
0x17: {  	s4 =	simm.s32 $0x1BF5;
	[smem:$0x3FBC] =	sst s0  }
0x18: {  	s0 =	sld [smem:$0x3F9F];
	_ =	swait.ge [sflag:s4], $0x0  }
0x19: {  	s7 =	sld [smem:$0x3FA0]  }
0x1a: {  	s8 =	sadd.s32 $0xFFFFE003, lr  }
0x1b: {  	s9 =	sadd.s32 $0xFFFFFEF7, lr;
	s5 =	simm.s32 $0xFFFFFFFF;
	p2 =	slt.u32 s8, $0xFFFFF086  }
0x1c: {  	p1 =	slt.u32 s9, $0xF7A;
	s5 =	simm.s32 @!p2 $0x0  }
0x1d: {  	s5 =	simm.s32 @p1 $0x1;
	p0 =	seq.s32 s7, s2  }
0x1e: {  	s7 =	smul.u32 @!p0 $0xF7A, s2;
	p2 =	seq.s32 @!p0 s5, $0x0  }
0x1f: {  	s9 =	smul.u32 $0xF7A, s1;
	s8 =	simm.s32 @!p0 $0x1BF5;
	p2 =	por !p2, p0  }
0x20: {  	[sflag:s8] =	ssyncset.s32 @!p0 $0xFFFFF086;
	s6 =	sadd.s32 @!p0 s3, s7;
	s7 =	simm.s32 @!p0 $0x108  }
0x21: {  	s3 =	sadd.s32 s3, s9;
	s6 =	sadd.s32 @!p0 $0x88, s6;
	s7 =	simm.s32 @p2 $0x1082  }
0x22: {  	[simem:s7], [sflag:s8] =	dma.local @!p0 [hbm:s6], $0xF7A  }
0x23: {  	s9 =	sor.u32 $0xD0000000, s2;
	s6 =	simm.s32 $0x108;
	_ =	swait.ge @!p0 [sflag:s8], $0x0  }
0x24: {  	s3 =	sadd.s32 $0x88, s3;
	s6 =	simm.s32 @!p1 $0x1082;
	[sflag:s4] =	ssyncset.s32 $0xFFFFF086  }
0x25: {  	[simem:s6], [sflag:s4] =	dma.local [hbm:s3], $0xF7A  }
0x26: {  	[smem:$0x3FA0] =	sst s1;
	(tag) =	ssettag s2;
	_ =	strace s9  }
0x27: {  	s1 =	sld [smem:$0x3FB0]  }
0x28: {  	s2 =	sld [smem:$0x3FB1]  }
0x29: {  	s4 =	sld [smem:$0x3FB3]  }
0x2a: {  	p0 =	seq.s32 s5, $0x0;
	s5 =	sld [smem:$0x3FB4]  }
0x2b: {  	s6 =	sld [smem:$0x3FB5]  }
0x2c: {  	s7 =	sld [smem:$0x3FB6]  }
0x2d: {  	s3 =	simm.s32 $0x108;
	s8 =	sld [smem:$0x3FB7]  }
0x2e: {  	s3 =	simm.s32 @!p0 $0x1082;
	s9 =	sld [smem:$0x3FB8]  }
0x2f: {  	lr =	sadd.s32 s0, s3;
	s0 =	sld [smem:$0x3FAF]  }
0x30: {  	s3 =	sld [smem:$0x3FB2]  }
0x31: {  	[smem:$0x3FBB] =	sst s10  }
0x32: {  	s10 =	sld [smem:$0x3FB9];
	_ =	sdelay $0x3  }
0x33: {  	p0 =	seq.s32 s10, $0x1;
	s10 =	sld [smem:$0x3FBB];
	_ =	sdelay $0x3  }
0x34: {  	[smem:$0x3FBB] =	sst s10  }
0x35: {  	s10 =	sld [smem:$0x3FBA];
	_ =	sdelay $0x3  }
0x36: {  	p1 =	seq.s32 s10, $0x1;
	s10 =	sld [smem:$0x3FBB];
	_ =	sdelay $0x3  }
0x37: {  	[smem:$0x3FBB] =	sst s10  }
0x38: {  	s10 =	sld [smem:$0x3FBC]  }
0x39: {  	_ = 	snop;
	(pc) =	sbr.ind lr, $3  }
0x3a: {  	_ = 	snop  }
0x3b: {  	_ = 	snop  }
0x3c: {  	p2 =	seq.s32 s10, $0x1;
	s10 =	sld [smem:$0x3FBB]  }
0x3d: {  	_ =	shalt  }
0x3e: {  	_ =	shalt  }
0x3f: {  	_ =	shalt  }
0x40: {  	_ =	shalt  }
0x41: {  	_ =	shalt  }
0x42: {  	_ =	shalt  }
0x43: {  	_ =	shalt  }
0x44: {  	_ =	shalt  }
0x45: {  	_ =	shalt  }
0x46: {  	_ =	shalt  }
0x47: {  	_ =	shalt  }
0x48: {  	_ =	shalt  }
0x49: {  	_ =	shalt  }
0x4a: {  	_ =	shalt  }
0x4b: {  	_ =	shalt  }
0x4c: {  	_ =	shalt  }
0x4d: {  	_ =	shalt  }
0x4e: {  	_ =	shalt  }
0x4f: {  	_ =	shalt  }
0x50: {  	_ =	shalt  }
0x51: {  	_ =	shalt  }
0x52: {  	_ =	shalt  }
0x53: {  	_ =	shalt  }
0x54: {  	_ =	shalt  }
0x55: {  	_ =	shalt  }
0x56: {  	_ =	shalt  }
0x57: {  	_ =	shalt  }
0x58: {  	_ =	shalt  }
0x59: {  	_ =	shalt  }
0x5a: {  	_ =	shalt  }
0x5b: {  	_ =	shalt  }
0x5c: {  	_ =	shalt  }
0x5d: {  	_ =	shalt  }
0x5e: {  	_ =	shalt  }
0x5f: {  	_ =	shalt  }
0x60: {  	_ =	shalt  }
0x61: {  	_ =	shalt  }
0x62: {  	_ =	shalt  }
0x63: {  	_ =	shalt  }
0x64: {  	_ =	shalt  }
0x65: {  	_ =	shalt  }
0x66: {  	_ =	shalt  }
0x67: {  	_ =	shalt  }
0x68: {  	_ =	shalt  }
0x69: {  	_ =	shalt  }
0x6a: {  	_ =	shalt  }
0x6b: {  	_ =	shalt  }
0x6c: {  	_ =	shalt  }
0x6d: {  	_ =	shalt  }
0x6e: {  	_ =	shalt  }
0x6f: {  	_ =	shalt  }
0x70: {  	_ =	shalt  }
0x71: {  	_ =	shalt  }
0x72: {  	_ =	shalt  }
0x73: {  	_ =	shalt  }
0x74: {  	_ =	shalt  }
0x75: {  	_ =	shalt  }
0x76: {  	_ =	shalt  }
0x77: {  	_ =	shalt  }
0x78: {  	_ =	shalt  }
0x79: {  	_ =	shalt  }
0x7a: {  	_ =	shalt  }
0x7b: {  	_ =	shalt  }
0x7c: {  	_ =	shalt  }
0x7d: {  	_ =	shalt  }
0x7e: {  	_ =	shalt  }
0x7f: {  	_ =	shalt  }
0x80: {  	_ =	shalt  }
0x81: {  	_ =	shalt  }
0x82: {  	_ =	shalt  }
0x83: {  	_ =	shalt  }
0x84: {  	_ =	shalt  }
0x85: {  	_ =	shalt  }
0x86: {  	_ =	shalt  }
0x87: {  	_ =	shalt  }
.Lfunc_end0:
.L_simem_size_0:
called_computation_lowered:
.L_overlay_start_0:
0x88: {  	s2 =	sld [smem:$0x3FD9]  }
0x89: {  	s3 =	sld [smem:$0x3FFE];
	_ =	sdelay $0x1  }
0x8a: {  	s1 =	srdreg.scid  }
0x8b: {  	s0 =	sand.u32 $0x1, s1  }
0x8c: {  	s18 =	sshll.u32 s0, $0xA;
	s2 =	sadd.s32 s3, s2  }
0x8d: {  	s2 =	sadd.s32 s2, s18  }
0x8e: {  	[smem:$0x3FC7] =	sst s2  }
0x8f: {  	_ = 	snop  }
0x90: {  	s2 =	sld [smem:$0x3FC9]  }
0x91: {  	s19 =	sld [smem:$0x3FD0];
	(tm) =	ssettm $0x1  }
0x92: {  	s4 =	sld [smem:$0x3FFB];
	_ =	sdelay $0x3  }
0x93: {  	_ =	strace s4  }
0x94: {  	s4 =	sld [smem:$0x3FFC];
	_ =	sdelay $0x3  }
0x95: {  	_ =	strace s4  }
0x96: {  	s4 =	sld [smem:$0x3FFD];
	_ =	sdelay $0x3  }
0x97: {  	_ =	strace s4  }
0x98: {  	_ =	strace $0x8FFFFFFF  }
0x99: {  	s20 =	sld [smem:$0x3FDB];
	_ =	sdelay $0x1  }
0x9a: {  	s5 =	simm.s32 $_scs_section_size  }
0x9b: {  	s6 =	simm.s32 $_size__tile_overlayer_lowered;
	s7 =	simm.s32 $_tile_overlayer_lowered  }
0x9c: {  	s23 =	simm.s32 $0x1BFF;
	s22 =	sshll.u32 s7, $0x1;
	s4 =	sadd.s32 s5, s20  }
0x9d: {  	s8 =	simm.s32 $0x0;
	s21 =	sshll.u32 s6, $0x1;
	s6 =	sadd.s32 s22, s4  }
0x9e: {  	[timem:s8], [sflag:s23] =	dma.local [hbm:s6], s21  }
0x9f: {  	_ =	swait.ge [sflag:s23], s21  }
0xa0: {  	s5 =	ssub.s32 $0x0, s21;
	[sflag:s23] =	ssyncset.done $0x0  }
0xa1: {  	[sflag:s23] =	ssyncadd.s32 s5;
	_ =	sdelay $0x1  }
0xa2: {  	s24 =	simm.s32 $0x1B8B  }
0xa3: {  	_ =	swait.ge [sflag:s24], $0x1  }
0xa4: {  	[sflag:s24] =	ssyncset.done $0x0  }
0xa5: {  	s25 =	simm.s32 $0x1B8E;
	[sflag:s24] =	ssyncadd.s32 $0xFFFFFFFF  }
0xa6: {  	s26 =	simm.s32 $execute0_lowered;
	[smem:$0x3FD2] =	sst s25  }
0xa7: {  	s5 =	sshll.u32 s26, $0x1;
	_ =	strace $0x80000046;
	[dreg:$0x1] =	wrdreg $0xFFFFFFFF  }
0xa8: {  	s28 =	simm.s32 $_size_execute0_lowered;
	s4 =	sadd.s32 s4, s5;
	[dreg:$0x0] =	wrdreg $0x0  }
0xa9: {  	s5 =	sshll.u32 s28, $0x1;
	[dreg:$0x2] =	wrdreg s4  }
0xaa: {  	[dreg:$0x3] =	wrdreg s5  }
0xab: {  	[dreg:$0x4] =	wrdreg $0xC0  }
0xac: {  	_ =	task [dreg:s8], $0x5FFFF  }
0xad: {  	[dreg:$0x1] =	wrdreg $0xFFFFFFFF  }
0xae: {  	[dreg:$0x0] =	wrdreg $0x60  }
0xaf: {  	[dreg:$0x2] =	wrdreg s2  }
0xb0: {  	[dreg:$0x3] =	wrdreg s19  }
0xb1: {  	[dreg:$0x4] =	wrdreg $0x9  }
0xb2: {  	_ =	task.clear_ibuf [dreg:s8], $0x5FFFF;
	_ =	strace $0x90000046  }
0xb3: {  	s29 =	simm.s32 $0x9;
	_ =	strace $0x80000048  }
0xb4: {  	_ =	swait.ge [sflag:s29], $0x1  }
0xb5: {  	[sflag:s29] =	ssyncadd.s32 $0xFFFFFFFF  }
0xb6: {  	_ =	strace $0x90000048  }
0xb7: {  	_ =	sfence  }
0xb8: {  	s30 =	sld [smem:$0x0];
	_ =	sdelay $0x2  }
0xb9: {  	s31 =	sshll.u32 s1, $0xD;
	s1 =	sshrl.u32 s1, $0x2  }
0xba: {  	s3 =	sand.u32 $0x4000, s31;
	s1 =	sadd.s32 s1, s30  }
0xbb: {  	s0 =	sor.u32 s3, s0;
	s1 =	sshll.u32 s1, $0x11  }
0xbc: {  	s0 =	sor.u32 s1, s0  }
0xbd: {  	s0 =	sadd.s32 $0x8F2B, s0  }
0xbe: {  	[sflag:s0] =	ssyncadd.remote.s32 $0x1  }
0xbf: {  	_ =	sfence.sel $0xFFFF  }
0xc0: {  	[dreg:$0x0] =	wrdreg $0xFFFFFFFF;
	(pc) =	sbr.abs _section_cstart, $3  }
0xc1: {  	[dreg:$0x1] =	wrdreg $0xFFFFFFFF  }
0xc2: {  	_ =	task.clear_ibuf [dreg:s8], $0x2FFFF;
	_ =	strace $0x9FFFFFFF  }
0xc3: {  	(tm) =	ssettm $0x7FFFFFFF  }
tec
execute0_lowered:
.L_overlay_start_1:
0x0: {  	(tag) =	ssettag $0x1  }
0x1: {  	s8 =	rddreg [dreg:$0x0]  }
0x2: {  	s23 =	rddreg [dreg:$0x1];
	s2 =	srdreg.scid  }
0x3: {  	s0 =	rddreg [dreg:$0x2];
	s1 =	stileid.u32;
	s29 =	sand.u32 $0x1, s2  }
0x4: {  	s2 =	simm.s32 $0x0;
	s3 =	sshll.u32 s1, $0xE;
	s4 =	sshll.u32 s29, $0xD  }
0x5: {  	[smem:$0x7FF] =	sst s2;
	s11 =	sor.u32 s4, s3  }
0x6: {  	_ =	strace $0x80000047;
	s3 =	sadd.s32 s8, s11;
	s15 =	sor.u32 $0x800, s11  }
0x7: {  	[tilespmem:s2], [sflag:$0x1] =	stream.linear.gather [hbm4b:s3+s2], $0x4000, $0x38;
	[tilespmem:$0x10000] =	vst v63  }
0x8: {  	s5 =	simm.s32 $0x4000;
	s19 =	sor.u32 $0x1000, s11;
	s4 =	sadd.s32 s8, s15  }
0x9: {  	[tilespmem:s5], [sflag:$0x1] =	stream.linear.gather [hbm4b:s4+s2], $0x4000, $0x38;
	[tilespmem:$0x10000] =	vst v63  }
0xa: {  	s7 =	simm.s32 $0x8000;
	s24 =	sor.u32 $0x1800, s11;
	s6 =	sadd.s32 s8, s19  }
0xb: {  	[tilespmem:s7], [sflag:$0x1] =	stream.linear.gather [hbm4b:s6+s2], $0x4000, $0x38;
	[tilespmem:$0x10000] =	vst v63  }
0xc: {  	s9 =	simm.s32 $0xC000;
	s10 =	simm.s32 $0x1;
	s8 =	sadd.s32 s8, s24  }
0xd: {  	[tilespmem:s9], [sflag:$0x1] =	stream.linear.gather [hbm4b:s8+s2], $0x4000, $0x38;
	[tilespmem:$0x10000] =	vst v63  }
0xe: {  	_ =	swait.ge [sflag:s10], $0x4000  }
0xf: {  	[sflag:s10] =	ssyncset.done $0x0  }
0x10: {  	s11 =	sadd.s32 s23, s11;
	[sflag:s10] =	ssyncadd.s32 $0xFFFFC000  }
0x11: {  	[hbm4b:s11+s2] =	stream.linear.scatter [tilespmem:s2], [sflag:$0x2], $0x4000, $0x38;
	[tilespmem:$0x10000] =	vst v63  }
0x12: {  	s12 =	sadd.s32 $0x40000, s11  }
0x13: {  	[hbm4b:s12+s2] =	stream.linear.scatter [tilespmem:s2], [sflag:$0x2], $0x4000, $0x38;
	[tilespmem:$0x10000] =	vst v63  }
0x14: {  	s13 =	sadd.s32 $0x80000, s11  }
0x15: {  	[hbm4b:s13+s2] =	stream.linear.scatter [tilespmem:s2], [sflag:$0x2], $0x4000, $0x38;
	[tilespmem:$0x10000] =	vst v63  }
0x16: {  	s14 =	sadd.s32 $0xC0000, s11  }
0x17: {  	[hbm4b:s14+s2] =	stream.linear.scatter [tilespmem:s2], [sflag:$0x2], $0x4000, $0x38;
	[tilespmem:$0x10000] =	vst v63  }
0x18: {  	_ =	swait.ge [sflag:s10], $0x4000  }
0x19: {  	[sflag:s10] =	ssyncset.done $0x0  }
0x1a: {  	s15 =	sadd.s32 s23, s15;
	[sflag:s10] =	ssyncadd.s32 $0xFFFFC000  }
0x1b: {  	[hbm4b:s15+s2] =	stream.linear.scatter [tilespmem:s5], [sflag:$0x2], $0x4000, $0x38;
	[tilespmem:$0x10000] =	vst v63  }
0x1c: {  	s16 =	sadd.s32 $0x40800, s11  }
0x1d: {  	[hbm4b:s16+s2] =	stream.linear.scatter [tilespmem:s5], [sflag:$0x2], $0x4000, $0x38;
	[tilespmem:$0x10000] =	vst v63  }
0x1e: {  	s17 =	sadd.s32 $0x80800, s11  }
0x1f: {  	[hbm4b:s17+s2] =	stream.linear.scatter [tilespmem:s5], [sflag:$0x2], $0x4000, $0x38;
	[tilespmem:$0x10000] =	vst v63  }
0x20: {  	s18 =	sadd.s32 $0xC0800, s11  }
0x21: {  	[hbm4b:s18+s2] =	stream.linear.scatter [tilespmem:s5], [sflag:$0x2], $0x4000, $0x38;
	[tilespmem:$0x10000] =	vst v63  }
0x22: {  	_ =	swait.ge [sflag:s10], $0x4000  }
0x23: {  	[sflag:s10] =	ssyncset.done $0x0  }
0x24: {  	s19 =	sadd.s32 s23, s19;
	[sflag:s10] =	ssyncadd.s32 $0xFFFFC000  }
0x25: {  	[hbm4b:s19+s2] =	stream.linear.scatter [tilespmem:s7], [sflag:$0x2], $0x4000, $0x38;
	[tilespmem:$0x10000] =	vst v63  }
0x26: {  	s20 =	sadd.s32 $0x41000, s11  }
0x27: {  	[hbm4b:s20+s2] =	stream.linear.scatter [tilespmem:s7], [sflag:$0x2], $0x4000, $0x38;
	[tilespmem:$0x10000] =	vst v63  }
0x28: {  	s21 =	sadd.s32 $0x81000, s11  }
0x29: {  	[hbm4b:s21+s2] =	stream.linear.scatter [tilespmem:s7], [sflag:$0x2], $0x4000, $0x38;
	[tilespmem:$0x10000] =	vst v63  }
0x2a: {  	s22 =	sadd.s32 $0xC1000, s11  }
0x2b: {  	[hbm4b:s22+s2] =	stream.linear.scatter [tilespmem:s7], [sflag:$0x2], $0x4000, $0x38;
	[tilespmem:$0x10000] =	vst v63  }
0x2c: {  	_ =	swait.ge [sflag:s10], $0x4000  }
0x2d: {  	[sflag:s10] =	ssyncset.done $0x0  }
0x2e: {  	s23 =	sadd.s32 s23, s24;
	[sflag:s10] =	ssyncadd.s32 $0xFFFFC000  }
0x2f: {  	[hbm4b:s23+s2] =	stream.linear.scatter [tilespmem:s9], [sflag:$0x2], $0x4000, $0x38;
	[tilespmem:$0x10000] =	vst v63  }
0x30: {  	s24 =	sadd.s32 $0x41800, s11  }
0x31: {  	[hbm4b:s24+s2] =	stream.linear.scatter [tilespmem:s9], [sflag:$0x2], $0x4000, $0x38;
	[tilespmem:$0x10000] =	vst v63  }
0x32: {  	s25 =	sadd.s32 $0x81800, s11  }
0x33: {  	[hbm4b:s25+s2] =	stream.linear.scatter [tilespmem:s9], [sflag:$0x2], $0x4000, $0x38;
	[tilespmem:$0x10000] =	vst v63  }
0x34: {  	s28 =	simm.s32 $0x2;
	s26 =	sadd.s32 $0xC1800, s11  }
0x35: {  	[hbm4b:s26+s2] =	stream.linear.scatter [tilespmem:s9], [sflag:$0x2], $0x4000, $0x38;
	[tilespmem:$0x10000] =	vst v63  }
0x36: {  	_ =	swait.ge [sflag:s28], $0x4000  }
0x37: {  	[sflag:s28] =	ssyncset.done $0x0  }
0x38: {  	[sflag:s28] =	ssyncadd.s32 $0xFFFFC000  }
0x39: {  	_ =	swait.ge [sflag:s28], $0x4000  }
0x3a: {  	[sflag:s28] =	ssyncset.done $0x0  }
0x3b: {  	[sflag:s28] =	ssyncadd.s32 $0xFFFFC000  }
0x3c: {  	_ =	swait.ge [sflag:s28], $0x4000  }
0x3d: {  	[sflag:s28] =	ssyncset.done $0x0  }
0x3e: {  	[sflag:s28] =	ssyncadd.s32 $0xFFFFC000  }
0x3f: {  	_ =	swait.ge [sflag:s28], $0x4000  }
0x40: {  	[sflag:s28] =	ssyncset.done $0x0  }
0x41: {  	[sflag:s28] =	ssyncadd.s32 $0xFFFFC000  }
0x42: {  	_ =	swait.ge [sflag:s28], $0x4000  }
0x43: {  	[sflag:s28] =	ssyncset.done $0x0  }
0x44: {  	[sflag:s28] =	ssyncadd.s32 $0xFFFFC000  }
0x45: {  	_ =	swait.ge [sflag:s28], $0x4000  }
0x46: {  	[sflag:s28] =	ssyncset.done $0x0  }
0x47: {  	[sflag:s28] =	ssyncadd.s32 $0xFFFFC000  }
0x48: {  	_ =	swait.ge [sflag:s28], $0x4000  }
0x49: {  	[sflag:s28] =	ssyncset.done $0x0  }
0x4a: {  	[sflag:s28] =	ssyncadd.s32 $0xFFFFC000  }
0x4b: {  	_ =	swait.ge [sflag:s28], $0x4000  }
0x4c: {  	[sflag:s28] =	ssyncset.done $0x0  }
0x4d: {  	[sflag:s28] =	ssyncadd.s32 $0xFFFFC000  }
0x4e: {  	_ =	swait.ge [sflag:s28], $0x4000  }
0x4f: {  	[sflag:s28] =	ssyncset.done $0x0  }
0x50: {  	[sflag:s28] =	ssyncadd.s32 $0xFFFFC000  }
0x51: {  	_ =	swait.ge [sflag:s28], $0x4000  }
0x52: {  	[sflag:s28] =	ssyncset.done $0x0  }
0x53: {  	[sflag:s28] =	ssyncadd.s32 $0xFFFFC000  }
0x54: {  	_ =	swait.ge [sflag:s28], $0x4000  }
0x55: {  	[sflag:s28] =	ssyncset.done $0x0  }
0x56: {  	[sflag:s28] =	ssyncadd.s32 $0xFFFFC000  }
0x57: {  	_ =	swait.ge [sflag:s28], $0x4000  }
0x58: {  	[sflag:s28] =	ssyncset.done $0x0  }
0x59: {  	[sflag:s28] =	ssyncadd.s32 $0xFFFFC000  }
0x5a: {  	_ =	swait.ge [sflag:s28], $0x4000  }
0x5b: {  	s29 =	ssub.s32 $0x2, s29;
	[sflag:s28] =	ssyncset.done $0x0  }
0x5c: {  	s30 =	sshrl.u32 s29, $0x1;
	[sflag:s28] =	ssyncadd.s32 $0xFFFFC000  }
0x5d: {  	s29 =	ssub.s32 s29, s30;
	_ =	swait.ge [sflag:s28], $0x4000  }
0x5e: {  	s29 =	smax.u32 s29, $0x1;
	[sflag:s28] =	ssyncset.done $0x0  }
0x5f: {  	p0 =	sne.s32 s29, $0x1;
	[sflag:s28] =	ssyncadd.s32 $0xFFFFC000  }
.Ltmp0:
0x60: {  	_ =	swait.ge [sflag:s28], $0x4000;
	(pc) =	sbr.rel @!p0 .LBB2_2-.Ltmp0, $4  }
0x61: {  	[sflag:s28] =	ssyncset.done $0x0  }
0x62: {  	[sflag:s28] =	ssyncadd.s32 $0xFFFFC000  }
0x63: {  	_ =	swait.ge [sflag:s28], $0x4000  }
0x64: {  	s29 =	sadd.s32 $0xFFFFFFFF, s29;
	[sflag:s28] =	ssyncset.done $0x0  }
.LBB2_1:
0x65: {  	p0 =	sne.s32 s29, $0x1;
	s29 =	sadd.s32 $0xFFFFFFFF, s29;
	[sflag:s28] =	ssyncadd.s32 $0xFFFFC000  }
0x66: {  	[tilespmem:s2], [sflag:$0x1] =	stream.linear.gather [hbm4b:s3+s2], $0x4000, $0x38;
	[tilespmem:$0x10000] =	vst v63  }
0x67: {  	_ = 	snop  }
0x68: {  	[tilespmem:s5], [sflag:$0x1] =	stream.linear.gather [hbm4b:s4+s2], $0x4000, $0x38;
	[tilespmem:$0x10000] =	vst v63  }
0x69: {  	_ = 	snop  }
0x6a: {  	[tilespmem:s7], [sflag:$0x1] =	stream.linear.gather [hbm4b:s6+s2], $0x4000, $0x38;
	[tilespmem:$0x10000] =	vst v63  }
0x6b: {  	_ = 	snop  }
0x6c: {  	[tilespmem:s9], [sflag:$0x1] =	stream.linear.gather [hbm4b:s8+s2], $0x4000, $0x38;
	[tilespmem:$0x10000] =	vst v63  }
0x6d: {  	_ =	swait.ge [sflag:s10], $0x4000  }
0x6e: {  	[sflag:s10] =	ssyncset.done $0x0  }
0x6f: {  	[sflag:s10] =	ssyncadd.s32 $0xFFFFC000  }
0x70: {  	[hbm4b:s11+s2] =	stream.linear.scatter [tilespmem:s2], [sflag:$0x2], $0x4000, $0x38;
	[tilespmem:$0x10000] =	vst v63  }
0x71: {  	_ = 	snop  }
0x72: {  	[hbm4b:s12+s2] =	stream.linear.scatter [tilespmem:s2], [sflag:$0x2], $0x4000, $0x38;
	[tilespmem:$0x10000] =	vst v63  }
0x73: {  	_ = 	snop  }
0x74: {  	[hbm4b:s13+s2] =	stream.linear.scatter [tilespmem:s2], [sflag:$0x2], $0x4000, $0x38;
	[tilespmem:$0x10000] =	vst v63  }
0x75: {  	_ = 	snop  }
0x76: {  	[hbm4b:s14+s2] =	stream.linear.scatter [tilespmem:s2], [sflag:$0x2], $0x4000, $0x38;
	[tilespmem:$0x10000] =	vst v63  }
0x77: {  	_ =	swait.ge [sflag:s10], $0x4000  }
0x78: {  	[sflag:s10] =	ssyncset.done $0x0  }
0x79: {  	[sflag:s10] =	ssyncadd.s32 $0xFFFFC000  }
0x7a: {  	[hbm4b:s15+s2] =	stream.linear.scatter [tilespmem:s5], [sflag:$0x2], $0x4000, $0x38;
	[tilespmem:$0x10000] =	vst v63  }
0x7b: {  	_ = 	snop  }
0x7c: {  	[hbm4b:s16+s2] =	stream.linear.scatter [tilespmem:s5], [sflag:$0x2], $0x4000, $0x38;
	[tilespmem:$0x10000] =	vst v63  }
0x7d: {  	_ = 	snop  }
0x7e: {  	[hbm4b:s17+s2] =	stream.linear.scatter [tilespmem:s5], [sflag:$0x2], $0x4000, $0x38;
	[tilespmem:$0x10000] =	vst v63  }
0x7f: {  	_ = 	snop  }
0x80: {  	[hbm4b:s18+s2] =	stream.linear.scatter [tilespmem:s5], [sflag:$0x2], $0x4000, $0x38;
	[tilespmem:$0x10000] =	vst v63  }
0x81: {  	_ =	swait.ge [sflag:s10], $0x4000  }
0x82: {  	[sflag:s10] =	ssyncset.done $0x0  }
0x83: {  	[sflag:s10] =	ssyncadd.s32 $0xFFFFC000  }
0x84: {  	[hbm4b:s19+s2] =	stream.linear.scatter [tilespmem:s7], [sflag:$0x2], $0x4000, $0x38;
	[tilespmem:$0x10000] =	vst v63  }
0x85: {  	_ = 	snop  }
0x86: {  	[hbm4b:s20+s2] =	stream.linear.scatter [tilespmem:s7], [sflag:$0x2], $0x4000, $0x38;
	[tilespmem:$0x10000] =	vst v63  }
0x87: {  	_ = 	snop  }
0x88: {  	[hbm4b:s21+s2] =	stream.linear.scatter [tilespmem:s7], [sflag:$0x2], $0x4000, $0x38;
	[tilespmem:$0x10000] =	vst v63  }
0x89: {  	_ = 	snop  }
0x8a: {  	[hbm4b:s22+s2] =	stream.linear.scatter [tilespmem:s7], [sflag:$0x2], $0x4000, $0x38;
	[tilespmem:$0x10000] =	vst v63  }
0x8b: {  	_ =	swait.ge [sflag:s10], $0x4000  }
0x8c: {  	[sflag:s10] =	ssyncset.done $0x0  }
0x8d: {  	[sflag:s10] =	ssyncadd.s32 $0xFFFFC000  }
0x8e: {  	[hbm4b:s23+s2] =	stream.linear.scatter [tilespmem:s9], [sflag:$0x2], $0x4000, $0x38;
	[tilespmem:$0x10000] =	vst v63  }
0x8f: {  	_ = 	snop  }
0x90: {  	[hbm4b:s24+s2] =	stream.linear.scatter [tilespmem:s9], [sflag:$0x2], $0x4000, $0x38;
	[tilespmem:$0x10000] =	vst v63  }
0x91: {  	_ = 	snop  }
0x92: {  	[hbm4b:s25+s2] =	stream.linear.scatter [tilespmem:s9], [sflag:$0x2], $0x4000, $0x38;
	[tilespmem:$0x10000] =	vst v63  }
0x93: {  	_ = 	snop  }
0x94: {  	[hbm4b:s26+s2] =	stream.linear.scatter [tilespmem:s9], [sflag:$0x2], $0x4000, $0x38;
	[tilespmem:$0x10000] =	vst v63  }
0x95: {  	_ =	swait.ge [sflag:s28], $0x4000  }
0x96: {  	[sflag:s28] =	ssyncset.done $0x0  }
0x97: {  	[sflag:s28] =	ssyncadd.s32 $0xFFFFC000  }
0x98: {  	_ =	swait.ge [sflag:s28], $0x4000  }
0x99: {  	[sflag:s28] =	ssyncset.done $0x0  }
0x9a: {  	[sflag:s28] =	ssyncadd.s32 $0xFFFFC000  }
0x9b: {  	_ =	swait.ge [sflag:s28], $0x4000  }
0x9c: {  	[sflag:s28] =	ssyncset.done $0x0  }
0x9d: {  	[sflag:s28] =	ssyncadd.s32 $0xFFFFC000  }
0x9e: {  	_ =	swait.ge [sflag:s28], $0x4000  }
0x9f: {  	[sflag:s28] =	ssyncset.done $0x0  }
0xa0: {  	[sflag:s28] =	ssyncadd.s32 $0xFFFFC000  }
0xa1: {  	_ =	swait.ge [sflag:s28], $0x4000  }
0xa2: {  	[sflag:s28] =	ssyncset.done $0x0  }
0xa3: {  	[sflag:s28] =	ssyncadd.s32 $0xFFFFC000  }
0xa4: {  	_ =	swait.ge [sflag:s28], $0x4000  }
0xa5: {  	[sflag:s28] =	ssyncset.done $0x0  }
0xa6: {  	[sflag:s28] =	ssyncadd.s32 $0xFFFFC000  }
0xa7: {  	_ =	swait.ge [sflag:s28], $0x4000  }
0xa8: {  	[sflag:s28] =	ssyncset.done $0x0  }
0xa9: {  	[sflag:s28] =	ssyncadd.s32 $0xFFFFC000  }
0xaa: {  	_ =	swait.ge [sflag:s28], $0x4000  }
0xab: {  	[sflag:s28] =	ssyncset.done $0x0  }
0xac: {  	[sflag:s28] =	ssyncadd.s32 $0xFFFFC000  }
0xad: {  	_ =	swait.ge [sflag:s28], $0x4000  }
0xae: {  	[sflag:s28] =	ssyncset.done $0x0  }
0xaf: {  	[sflag:s28] =	ssyncadd.s32 $0xFFFFC000  }
0xb0: {  	_ =	swait.ge [sflag:s28], $0x4000  }
0xb1: {  	[sflag:s28] =	ssyncset.done $0x0  }
0xb2: {  	[sflag:s28] =	ssyncadd.s32 $0xFFFFC000  }
0xb3: {  	_ =	swait.ge [sflag:s28], $0x4000  }
0xb4: {  	[sflag:s28] =	ssyncset.done $0x0  }
0xb5: {  	[sflag:s28] =	ssyncadd.s32 $0xFFFFC000  }
0xb6: {  	_ =	swait.ge [sflag:s28], $0x4000  }
0xb7: {  	[sflag:s28] =	ssyncset.done $0x0  }
0xb8: {  	[sflag:s28] =	ssyncadd.s32 $0xFFFFC000  }
0xb9: {  	_ =	swait.ge [sflag:s28], $0x4000  }
0xba: {  	[sflag:s28] =	ssyncset.done $0x0  }
0xbb: {  	[sflag:s28] =	ssyncadd.s32 $0xFFFFC000  }
0xbc: {  	_ =	swait.ge [sflag:s28], $0x4000  }
0xbd: {  	[sflag:s28] =	ssyncset.done $0x0  }
0xbe: {  	[sflag:s28] =	ssyncadd.s32 $0xFFFFC000  }
.Ltmp1:
0xbf: {  	_ =	swait.ge [sflag:s28], $0x4000;
	(pc) =	sbr.rel @p0 .LBB2_1-.Ltmp1, $4  }
0xc0: {  	[sflag:s28] =	ssyncset.done $0x0  }
0xc1: {  	[sflag:s28] =	ssyncadd.s32 $0xFFFFC000  }
0xc2: {  	_ =	swait.ge [sflag:s28], $0x4000  }
0xc3: {  	[sflag:s28] =	ssyncset.done $0x0  }
.LBB2_2:
0xc4: {  	[sflag:s28] =	ssyncadd.s32 $0xFFFFC000  }
0xc5: {  	_ =	sfence.sel $0x180000  }
0xc6: {  	[bflag:$0x0] =	sbarrier.arrive $0xFFFF  }
0xc7: {  	p0 =	sne.s32 s1, $0x0;
	_ =	strace $0x90000047  }
0xc8: {  	s0 =	sadd.s32 @!p0 $0x100000, s0;
	[bflag:$0x2] =	sbarrier.arrive $0xFFFF  }
0xc9: {  	[sflag:s0] =	ssyncadd.tile.s32 @!p0 $0x1;
	_ =	shalt  }
.Lfunc_end2:
_tile_overlayer_lowered:
.L_overlay_start_2:
0xca: {  	(tag) =	ssettag $0x2  }
0xcb: {  	s0 =	rddreg [dreg:$0x0];
	s2 =	stileid.u32  }
0xcc: {  	s1 =	rddreg [dreg:$0x1];
	p0 =	sne.s32 s2, $0x0  }
0xcd: {  	s3 =	rddreg [dreg:$0x2];
	[bflag:$0x3] =	sbarrier.arrive $0xFFFF;
	s2 =	simm.s32 @!p0 $0x1C03  }
0xce: {  	[timem:s3], [sflag:s2] =	dma.local @!p0 [hbm:s0], s1  }
0xcf: {  	s0 =	simm.s32 @!p0 $0x3  }
0xd0: {  	_ =	swait.ge @!p0 [sflag:s0], s1  }
0xd1: {  	s1 =	ssub.s32 @!p0 $0x0, s1;
	[sflag:s0] =	ssyncset.done @!p0 $0x0  }
0xd2: {  	[sflag:s0] =	ssyncadd.s32 @!p0 s1  }
0xd3: {  	[bflag:$0x3] =	sbarrier.arrive $0xFFFF  }
0xd4: {  	_ =	shalt  }

</sc_bundles>
